<compile_context>
chip_gen: v7x
topology: tpu7x:2x2x1
jax: 0.10.2.dev20260603
libtpu: 0.0.44.dev20260713+nightly
codegen_flags: <defaults>
</compile_context>

<pallas_src>
import functools
import jax
import jax.numpy as jnp
from jax import lax
from jax.experimental import pallas as pl
from jax.experimental.pallas import tpu as pltpu
from jax.experimental.pallas import tpu_sc as plsc

_TB = 2048
_NE = 64
_NC = 2
_NS = 16
_NW = _NC * _NS
_TPW = 512
_L = 16
_UNROLL = 8


def _logits_body(x_ref, w_ref, b_ref, out_ref):
    x = x_ref[...]
    w = w_ref[...]
    lt = jax.lax.dot_general(
        w, x, (((1,), (1,)), ((), ())), preferred_element_type=jnp.float32
    )
    lt = lt + b_ref[...]
    for w_local in range(_TB // _TPW):
        out_ref[w_local] = lt[:, w_local * _TPW:(w_local + 1) * _TPW]


def _tc_logits(hidden_states, gate_w, gate_b):
    T, H = hidden_states.shape
    wpb = _TB // _TPW
    return pl.pallas_call(
        _logits_body,
        grid=(T // _TB,),
        in_specs=[
            pl.BlockSpec((_TB, H), lambda i: (i, 0)),
            pl.BlockSpec((_NE, H), lambda i: (0, 0)),
            pl.BlockSpec((_NE, 1), lambda i: (0, 0)),
        ],
        out_specs=pl.BlockSpec((wpb, _NE, _TPW), lambda i: (i, 0, 0)),
        out_shape=jax.ShapeDtypeStruct((T // _TPW, _NE, _TPW), jnp.float32),
    )(hidden_states, gate_w, gate_b.reshape(_NE, 1))


def _make_sc_router(T):
    mesh = plsc.VectorSubcoreMesh(core_axis_name="c", subcore_axis_name="s")

    @functools.partial(
        pl.kernel,
        mesh=mesh,
        out_type=[
            jax.ShapeDtypeStruct((T,), jnp.float32),
            jax.ShapeDtypeStruct((T,), jnp.float32),
            jax.ShapeDtypeStruct((T,), jnp.int32),
            jax.ShapeDtypeStruct((T,), jnp.int32),
        ],
        scratch_types=[
            pltpu.VMEM((_NE, _TPW), jnp.float32),
            pltpu.VMEM((_TPW,), jnp.float32),
            pltpu.VMEM((_TPW,), jnp.float32),
            pltpu.VMEM((_TPW,), jnp.int32),
            pltpu.VMEM((_TPW,), jnp.int32),
        ],
    )
    def sc_router(logits_hbm, w1_hbm, w2_hbm, i1_hbm, i2_hbm,
                  chunk, w1v, w2v, i1v, i2v):
        wid = lax.axis_index("s") * _NC + lax.axis_index("c")
        base = wid * _TPW
        pltpu.sync_copy(logits_hbm.at[wid], chunk)

        def group(g, _):
            ga = g * 2 * _L
            gb = ga + _L
            neg = jnp.full((_L,), -jnp.inf, jnp.float32)
            zz = jnp.zeros((_L,), jnp.int32)
            ones = jnp.ones((_L,), jnp.int32)

            def estep(k, c):
                m1a, m2a, j1a, j2a, m1b, m2b, j1b, j2b, ev = c
                for d in range(_UNROLL):
                    e = k * _UNROLL + d
                    va = chunk[e, pl.ds(ga, _L)]
                    vb = chunk[e, pl.ds(gb, _L)]
                    gt1a = va > m1a
                    gt2a = va > m2a
                    gt1b = vb > m1b
                    gt2b = vb > m2b
                    m2a_n = jnp.maximum(m2a, jnp.minimum(m1a, va))
                    m2b_n = jnp.maximum(m2b, jnp.minimum(m1b, vb))
                    j2a = jnp.where(gt1a, j1a, jnp.where(gt2a, ev, j2a))
                    j2b = jnp.where(gt1b, j1b, jnp.where(gt2b, ev, j2b))
                    m1a, m2a = jnp.maximum(m1a, va), m2a_n
                    m1b, m2b = jnp.maximum(m1b, vb), m2b_n
                    j1a = jnp.where(gt1a, ev, j1a)
                    j1b = jnp.where(gt1b, ev, j1b)
                    ev = ev + ones
                return (m1a, m2a, j1a, j2a, m1b, m2b, j1b, j2b, ev)

            m1a, m2a, j1a, j2a, m1b, m2b, j1b, j2b, _ = lax.fori_loop(
                0, _NE // _UNROLL, estep,
                (neg, neg, zz, zz, neg, neg, zz, zz, zz),
            )
            exa = jnp.exp(m2a - m1a)
            exb = jnp.exp(m2b - m1b)
            wa = 1.0 / (1.0 + exa)
            wb = 1.0 / (1.0 + exb)
            w1v[pl.ds(ga, _L)] = wa
            w2v[pl.ds(ga, _L)] = exa * wa
            i1v[pl.ds(ga, _L)] = j1a
            i2v[pl.ds(ga, _L)] = j2a
            w1v[pl.ds(gb, _L)] = wb
            w2v[pl.ds(gb, _L)] = exb * wb
            i1v[pl.ds(gb, _L)] = j1b
            i2v[pl.ds(gb, _L)] = j2b
            return 0

        lax.fori_loop(0, _TPW // (2 * _L), group, 0)
        pltpu.sync_copy(w1v, w1_hbm.at[pl.ds(base, _TPW)])
        pltpu.sync_copy(w2v, w2_hbm.at[pl.ds(base, _TPW)])
        pltpu.sync_copy(i1v, i1_hbm.at[pl.ds(base, _TPW)])
        pltpu.sync_copy(i2v, i2_hbm.at[pl.ds(base, _TPW)])

    return sc_router


def kernel(hidden_states, gate_w, gate_b):
    T, _ = hidden_states.shape
    logits = _tc_logits(hidden_states, gate_w, gate_b)
    w1, w2, i1, i2 = _make_sc_router(T)(logits)
    weights = jnp.stack([w1, w2], axis=-1)
    idx = jnp.stack([i1, i2], axis=-1)
    return (weights, idx)

# --- scband reference (transcript-rebuilt; emitter-appended) ---
"""Pipeline reference for scband-learned-router-88089779241156 (READ-ONLY COPY).

The authoritative reference and input builder live on the scoring server;
editing this copy changes nothing except your own understanding.
"""

import jax, jax.numpy as jnp
import numpy as np

HIDDEN_DIM = 2048
N_EXPERTS = 64
TOP_K = 2
TOKENS = 16384


def setup_inputs(seed: int = 0) -> dict:
    key = jax.random.key(seed)
    k1, k2, k3 = jax.random.split(key, 3)
    hidden_states = jax.random.normal(k1, (TOKENS, HIDDEN_DIM), dtype=jnp.float32)
    # nn.Linear(hidden_dim, n_experts): weight [n_experts, hidden_dim], bias [n_experts]
    bound = 1.0 / np.sqrt(HIDDEN_DIM)
    gate_w = jax.random.uniform(k2, (N_EXPERTS, HIDDEN_DIM), dtype=jnp.float32, minval=-bound, maxval=bound)
    gate_b = jax.random.uniform(k3, (N_EXPERTS,), dtype=jnp.float32, minval=-bound, maxval=bound)
    return {"hidden_states": hidden_states, "gate_w": gate_w, "gate_b": gate_b}


def reference(hidden_states, gate_w, gate_b):
    # logits = self.gate(hidden_states)
    logits = hidden_states @ gate_w.T + gate_b
    # topk_vals, topk_idx = logits.topk(self.top_k, dim=-1)
    topk_vals, topk_idx = jax.lax.top_k(logits, TOP_K)
    # weights = F.softmax(topk_vals, dim=-1)
    weights = jax.nn.softmax(topk_vals, axis=-1)
    return (weights, topk_idx)

if __name__ == "__main__":
    import jax
    _d = setup_inputs()
    print(jax.jit(kernel)(*tuple(_d.values())))

</pallas_src>

<mosaic_0001>
#map = affine_map<(d0, d1) -> (0, 0, 0)>
#map1 = affine_map<(d0, d1) -> (0)>
module attributes {stable_mosaic.version = 14 : i64} {
  func.func @sc_router(%arg0: i32, %arg1: i32, %arg2: memref<32x64x512xf32, #tpu.memory_space<hbm>>, %arg3: memref<16384xf32, #tpu.memory_space<hbm>>, %arg4: memref<16384xf32, #tpu.memory_space<hbm>>, %arg5: memref<16384xi32, #tpu.memory_space<hbm>>, %arg6: memref<16384xi32, #tpu.memory_space<hbm>>, %arg7: memref<64x512xf32, #tpu.memory_space<vmem>>, %arg8: memref<512xf32, #tpu.memory_space<vmem>>, %arg9: memref<512xf32, #tpu.memory_space<vmem>>, %arg10: memref<512xi32, #tpu.memory_space<vmem>>, %arg11: memref<512xi32, #tpu.memory_space<vmem>>) attributes {dimension_semantics = [#tpu.dimension_semantics<core_parallel>, #tpu.dimension_semantics<subcore_parallel>], iteration_bounds = array<i64: 2, 16>, scalar_prefetch = 0 : i64, scratch_operands = 5 : i64, tpu.core_type = #tpu.core_type<sc_vector_subcore>, window_params = [{transform_indices = #map}, {transform_indices = #map1}, {transform_indices = #map1}, {transform_indices = #map1}, {transform_indices = #map1}]} {
    %mul3A = arith.constant 2 : i32
    %mul3A_0 = arith.muli %arg1, %mul3A : i32
    %add3A = arith.addi %mul3A_0, %arg0 : i32
    %mul3A_1 = arith.constant 512 : i32
    %mul3A_2 = arith.muli %add3A, %mul3A_1 : i32
    "tpu.region"() ({
      %run_scoped3A = tpu.sem_alloc : memref<!tpu.dma_semaphore, #tpu.memory_space<semaphore_mem>>
      %dma_start3A = arith.constant 0 : i32
      %dma_start3A_9 = arith.constant 0 : i32
      %dma_start3A_10 = tpu.memref_slice %arg2[%add3A, %dma_start3A, %dma_start3A_9] : memref<32x64x512xf32, #tpu.memory_space<hbm>> -> memref<1x64x512xf32, #tpu.memory_space<hbm>>
      %dma_start3A_11 = tpu.memref_squeeze %dma_start3A_10 : memref<1x64x512xf32, #tpu.memory_space<hbm>> -> memref<64x512xf32, #tpu.memory_space<hbm>>
      %dma_start3A_12 = arith.constant 0 : i32
      %dma_start3A_13 = arith.constant 0 : i32
      %dma_start3A_14 = tpu.memref_slice %arg2[%add3A, %dma_start3A_12, %dma_start3A_13] : memref<32x64x512xf32, #tpu.memory_space<hbm>> -> memref<1x64x512xf32, #tpu.memory_space<hbm>>
      %dma_start3A_15 = tpu.memref_squeeze %dma_start3A_14 : memref<1x64x512xf32, #tpu.memory_space<hbm>> -> memref<64x512xf32, #tpu.memory_space<hbm>>
      tpu.enqueue_dma source(%dma_start3A_15 : memref<64x512xf32, #tpu.memory_space<hbm>>) target(%arg7 : memref<64x512xf32, #tpu.memory_space<vmem>>) target_semaphore(%run_scoped3A : memref<!tpu.dma_semaphore, #tpu.memory_space<semaphore_mem>>)
      %dma_wait3A = arith.constant 0 : i32
      %dma_wait3A_16 = arith.constant 0 : i32
      %dma_wait3A_17 = tpu.memref_slice %arg2[%add3A, %dma_wait3A, %dma_wait3A_16] : memref<32x64x512xf32, #tpu.memory_space<hbm>> -> memref<1x64x512xf32, #tpu.memory_space<hbm>>
      %dma_wait3A_18 = tpu.memref_squeeze %dma_wait3A_17 : memref<1x64x512xf32, #tpu.memory_space<hbm>> -> memref<64x512xf32, #tpu.memory_space<hbm>>
      %dma_wait3A_19 = arith.constant 0 : i32
      %dma_wait3A_20 = arith.constant 0 : i32
      %dma_wait3A_21 = tpu.memref_slice %arg2[%add3A, %dma_wait3A_19, %dma_wait3A_20] : memref<32x64x512xf32, #tpu.memory_space<hbm>> -> memref<1x64x512xf32, #tpu.memory_space<hbm>>
      %dma_wait3A_22 = tpu.memref_squeeze %dma_wait3A_21 : memref<1x64x512xf32, #tpu.memory_space<hbm>> -> memref<64x512xf32, #tpu.memory_space<hbm>>
      tpu.wait_dma2 semaphore(%run_scoped3A : memref<!tpu.dma_semaphore, #tpu.memory_space<semaphore_mem>>) src(%dma_wait3A_22 : memref<64x512xf32, #tpu.memory_space<hbm>>) dst(%arg7 : memref<64x512xf32, #tpu.memory_space<vmem>>)
      tpu.yield
    }) : () -> ()
    %scan3A = arith.constant 0 : i32
    %scan3A_3 = arith.constant 0 : i32
    %scan3A_4 = arith.constant 16 : i32
    %scan3A_5 = arith.addi %scan3A_3, %scan3A_4 : i32
    %scan3A_6 = arith.constant 1 : i32
    %scan3A_7 = scf.for %scan3A_9 = %scan3A_3 to %scan3A_5 step %scan3A_6 iter_args(%scan3A_10 = %scan3A) -> (i32)  : i32 {
      %mul3A_11 = arith.constant 2 : i32
      %mul3A_12 = arith.muli %scan3A_9, %mul3A_11 : i32
      %mul3A_13 = arith.constant 16 : i32
      %mul3A_14 = arith.muli %mul3A_12, %mul3A_13 : i32
      %add3A_15 = arith.constant 16 : i32
      %add3A_16 = arith.addi %mul3A_14, %add3A_15 : i32
      %broadcast_in_dim3A = arith.constant 0xFF800000 : f32
      %broadcast_in_dim3A_17 = vector.broadcast %broadcast_in_dim3A : f32 to vector<16xf32>
      %broadcast_in_dim3A_18 = arith.constant 0 : i32
      %broadcast_in_dim3A_19 = vector.broadcast %broadcast_in_dim3A_18 : i32 to vector<16xi32>
      %broadcast_in_dim3A_20 = arith.constant 1 : i32
      %broadcast_in_dim3A_21 = vector.broadcast %broadcast_in_dim3A_20 : i32 to vector<16xi32>
      %scan3A_22 = arith.constant 0 : i32
      %scan3A_23 = arith.constant 8 : i32
      %scan3A_24 = arith.addi %scan3A_22, %scan3A_23 : i32
      %scan3A_25 = arith.constant 1 : i32
      %scan3A_26:9 = scf.for %scan3A_75 = %scan3A_22 to %scan3A_24 step %scan3A_25 iter_args(%scan3A_76 = %broadcast_in_dim3A_17, %scan3A_77 = %broadcast_in_dim3A_17, %scan3A_78 = %broadcast_in_dim3A_19, %scan3A_79 = %broadcast_in_dim3A_19, %scan3A_80 = %broadcast_in_dim3A_17, %scan3A_81 = %broadcast_in_dim3A_17, %scan3A_82 = %broadcast_in_dim3A_19, %scan3A_83 = %broadcast_in_dim3A_19, %scan3A_84 = %broadcast_in_dim3A_19) -> (vector<16xf32>, vector<16xf32>, vector<16xi32>, vector<16xi32>, vector<16xf32>, vector<16xf32>, vector<16xi32>, vector<16xi32>, vector<16xi32>)  : i32 {
        %mul3A_85 = arith.constant 8 : i32
        %mul3A_86 = arith.muli %scan3A_75, %mul3A_85 : i32
        %add3A_87 = arith.constant 0 : i32
        %add3A_88 = arith.addi %mul3A_86, %add3A_87 : i32
        %get3A = arith.index_cast %add3A_88 : i32 to index
        %get3A_89 = arith.index_cast %mul3A_14 : i32 to index
        %get3A_90 = tpu.vector_load %arg7[%get3A, %get3A_89] {strides = array<i32>} : memref<64x512xf32, #tpu.memory_space<vmem>>, vector<1x16xf32>,
        %get3A_91 = vector.shape_cast %get3A_90 : vector<1x16xf32> to vector<16xf32>
        %get3A_92 = arith.index_cast %add3A_88 : i32 to index
        %get3A_93 = arith.index_cast %add3A_16 : i32 to index
        %get3A_94 = tpu.vector_load %arg7[%get3A_92, %get3A_93] {strides = array<i32>} : memref<64x512xf32, #tpu.memory_space<vmem>>, vector<1x16xf32>,
        %get3A_95 = vector.shape_cast %get3A_94 : vector<1x16xf32> to vector<16xf32>
        %gt3A = arith.cmpf ogt, %get3A_91, %scan3A_76 : vector<16xf32>
        %gt3A_96 = arith.cmpf ogt, %get3A_91, %scan3A_77 : vector<16xf32>
        %gt3A_97 = arith.cmpf ogt, %get3A_95, %scan3A_80 : vector<16xf32>
        %gt3A_98 = arith.cmpf ogt, %get3A_95, %scan3A_81 : vector<16xf32>
        %min3A = arith.minimumf %scan3A_76, %get3A_91 : vector<16xf32>
        %max3A = arith.maximumf %scan3A_77, %min3A : vector<16xf32>
        %min3A_99 = arith.minimumf %scan3A_80, %get3A_95 : vector<16xf32>
        %max3A_100 = arith.maximumf %scan3A_81, %min3A_99 : vector<16xf32>
        %select_n3A = arith.select %gt3A_96, %scan3A_84, %scan3A_79 : vector<16xi1>, vector<16xi32>
        %select_n3A_101 = arith.select %gt3A, %scan3A_78, %select_n3A : vector<16xi1>, vector<16xi32>
        %select_n3A_102 = arith.select %gt3A_98, %scan3A_84, %scan3A_83 : vector<16xi1>, vector<16xi32>
        %select_n3A_103 = arith.select %gt3A_97, %scan3A_82, %select_n3A_102 : vector<16xi1>, vector<16xi32>
        %max3A_104 = arith.maximumf %scan3A_76, %get3A_91 : vector<16xf32>
        %max3A_105 = arith.maximumf %scan3A_80, %get3A_95 : vector<16xf32>
        %select_n3A_106 = arith.select %gt3A, %scan3A_84, %scan3A_78 : vector<16xi1>, vector<16xi32>
        %select_n3A_107 = arith.select %gt3A_97, %scan3A_84, %scan3A_82 : vector<16xi1>, vector<16xi32>
        %add3A_108 = arith.addi %scan3A_84, %broadcast_in_dim3A_21 : vector<16xi32>
        %mul3A_109 = arith.constant 8 : i32
        %mul3A_110 = arith.muli %scan3A_75, %mul3A_109 : i32
        %add3A_111 = arith.constant 1 : i32
        %add3A_112 = arith.addi %mul3A_110, %add3A_111 : i32
        %get3A_113 = arith.index_cast %add3A_112 : i32 to index
        %get3A_114 = arith.index_cast %mul3A_14 : i32 to index
        %get3A_115 = tpu.vector_load %arg7[%get3A_113, %get3A_114] {strides = array<i32>} : memref<64x512xf32, #tpu.memory_space<vmem>>, vector<1x16xf32>,
        %get3A_116 = vector.shape_cast %get3A_115 : vector<1x16xf32> to vector<16xf32>
        %get3A_117 = arith.index_cast %add3A_112 : i32 to index
        %get3A_118 = arith.index_cast %add3A_16 : i32 to index
        %get3A_119 = tpu.vector_load %arg7[%get3A_117, %get3A_118] {strides = array<i32>} : memref<64x512xf32, #tpu.memory_space<vmem>>, vector<1x16xf32>,
        %get3A_120 = vector.shape_cast %get3A_119 : vector<1x16xf32> to vector<16xf32>
        %gt3A_121 = arith.cmpf ogt, %get3A_116, %max3A_104 : vector<16xf32>
        %gt3A_122 = arith.cmpf ogt, %get3A_116, %max3A : vector<16xf32>
        %gt3A_123 = arith.cmpf ogt, %get3A_120, %max3A_105 : vector<16xf32>
        %gt3A_124 = arith.cmpf ogt, %get3A_120, %max3A_100 : vector<16xf32>
        %min3A_125 = arith.minimumf %max3A_104, %get3A_116 : vector<16xf32>
        %max3A_126 = arith.maximumf %max3A, %min3A_125 : vector<16xf32>
        %min3A_127 = arith.minimumf %max3A_105, %get3A_120 : vector<16xf32>
        %max3A_128 = arith.maximumf %max3A_100, %min3A_127 : vector<16xf32>
        %select_n3A_129 = arith.select %gt3A_122, %add3A_108, %select_n3A_101 : vector<16xi1>, vector<16xi32>
        %select_n3A_130 = arith.select %gt3A_121, %select_n3A_106, %select_n3A_129 : vector<16xi1>, vector<16xi32>
        %select_n3A_131 = arith.select %gt3A_124, %add3A_108, %select_n3A_103 : vector<16xi1>, vector<16xi32>
        %select_n3A_132 = arith.select %gt3A_123, %select_n3A_107, %select_n3A_131 : vector<16xi1>, vector<16xi32>
        %max3A_133 = arith.maximumf %max3A_104, %get3A_116 : vector<16xf32>
        %max3A_134 = arith.maximumf %max3A_105, %get3A_120 : vector<16xf32>
        %select_n3A_135 = arith.select %gt3A_121, %add3A_108, %select_n3A_106 : vector<16xi1>, vector<16xi32>
        %select_n3A_136 = arith.select %gt3A_123, %add3A_108, %select_n3A_107 : vector<16xi1>, vector<16xi32>
        %add3A_137 = arith.addi %add3A_108, %broadcast_in_dim3A_21 : vector<16xi32>
        %mul3A_138 = arith.constant 8 : i32
        %mul3A_139 = arith.muli %scan3A_75, %mul3A_138 : i32
        %add3A_140 = arith.constant 2 : i32
        %add3A_141 = arith.addi %mul3A_139, %add3A_140 : i32
        %get3A_142 = arith.index_cast %add3A_141 : i32 to index
        %get3A_143 = arith.index_cast %mul3A_14 : i32 to index
        %get3A_144 = tpu.vector_load %arg7[%get3A_142, %get3A_143] {strides = array<i32>} : memref<64x512xf32, #tpu.memory_space<vmem>>, vector<1x16xf32>,
        %get3A_145 = vector.shape_cast %get3A_144 : vector<1x16xf32> to vector<16xf32>
        %get3A_146 = arith.index_cast %add3A_141 : i32 to index
        %get3A_147 = arith.index_cast %add3A_16 : i32 to index
        %get3A_148 = tpu.vector_load %arg7[%get3A_146, %get3A_147] {strides = array<i32>} : memref<64x512xf32, #tpu.memory_space<vmem>>, vector<1x16xf32>,
        %get3A_149 = vector.shape_cast %get3A_148 : vector<1x16xf32> to vector<16xf32>
        %gt3A_150 = arith.cmpf ogt, %get3A_145, %max3A_133 : vector<16xf32>
        %gt3A_151 = arith.cmpf ogt, %get3A_145, %max3A_126 : vector<16xf32>
        %gt3A_152 = arith.cmpf ogt, %get3A_149, %max3A_134 : vector<16xf32>
        %gt3A_153 = arith.cmpf ogt, %get3A_149, %max3A_128 : vector<16xf32>
        %min3A_154 = arith.minimumf %max3A_133, %get3A_145 : vector<16xf32>
        %max3A_155 = arith.maximumf %max3A_126, %min3A_154 : vector<16xf32>
        %min3A_156 = arith.minimumf %max3A_134, %get3A_149 : vector<16xf32>
        %max3A_157 = arith.maximumf %max3A_128, %min3A_156 : vector<16xf32>
        %select_n3A_158 = arith.select %gt3A_151, %add3A_137, %select_n3A_130 : vector<16xi1>, vector<16xi32>
        %select_n3A_159 = arith.select %gt3A_150, %select_n3A_135, %select_n3A_158 : vector<16xi1>, vector<16xi32>
        %select_n3A_160 = arith.select %gt3A_153, %add3A_137, %select_n3A_132 : vector<16xi1>, vector<16xi32>
        %select_n3A_161 = arith.select %gt3A_152, %select_n3A_136, %select_n3A_160 : vector<16xi1>, vector<16xi32>
        %max3A_162 = arith.maximumf %max3A_133, %get3A_145 : vector<16xf32>
        %max3A_163 = arith.maximumf %max3A_134, %get3A_149 : vector<16xf32>
        %select_n3A_164 = arith.select %gt3A_150, %add3A_137, %select_n3A_135 : vector<16xi1>, vector<16xi32>
        %select_n3A_165 = arith.select %gt3A_152, %add3A_137, %select_n3A_136 : vector<16xi1>, vector<16xi32>
        %add3A_166 = arith.addi %add3A_137, %broadcast_in_dim3A_21 : vector<16xi32>
        %mul3A_167 = arith.constant 8 : i32
        %mul3A_168 = arith.muli %scan3A_75, %mul3A_167 : i32
        %add3A_169 = arith.constant 3 : i32
        %add3A_170 = arith.addi %mul3A_168, %add3A_169 : i32
        %get3A_171 = arith.index_cast %add3A_170 : i32 to index
        %get3A_172 = arith.index_cast %mul3A_14 : i32 to index
        %get3A_173 = tpu.vector_load %arg7[%get3A_171, %get3A_172] {strides = array<i32>} : memref<64x512xf32, #tpu.memory_space<vmem>>, vector<1x16xf32>,
        %get3A_174 = vector.shape_cast %get3A_173 : vector<1x16xf32> to vector<16xf32>
        %get3A_175 = arith.index_cast %add3A_170 : i32 to index
        %get3A_176 = arith.index_cast %add3A_16 : i32 to index
        %get3A_177 = tpu.vector_load %arg7[%get3A_175, %get3A_176] {strides = array<i32>} : memref<64x512xf32, #tpu.memory_space<vmem>>, vector<1x16xf32>,
        %get3A_178 = vector.shape_cast %get3A_177 : vector<1x16xf32> to vector<16xf32>
        %gt3A_179 = arith.cmpf ogt, %get3A_174, %max3A_162 : vector<16xf32>
        %gt3A_180 = arith.cmpf ogt, %get3A_174, %max3A_155 : vector<16xf32>
        %gt3A_181 = arith.cmpf ogt, %get3A_178, %max3A_163 : vector<16xf32>
        %gt3A_182 = arith.cmpf ogt, %get3A_178, %max3A_157 : vector<16xf32>
        %min3A_183 = arith.minimumf %max3A_162, %get3A_174 : vector<16xf32>
        %max3A_184 = arith.maximumf %max3A_155, %min3A_183 : vector<16xf32>
        %min3A_185 = arith.minimumf %max3A_163, %get3A_178 : vector<16xf32>
        %max3A_186 = arith.maximumf %max3A_157, %min3A_185 : vector<16xf32>
        %select_n3A_187 = arith.select %gt3A_180, %add3A_166, %select_n3A_159 : vector<16xi1>, vector<16xi32>
        %select_n3A_188 = arith.select %gt3A_179, %select_n3A_164, %select_n3A_187 : vector<16xi1>, vector<16xi32>
        %select_n3A_189 = arith.select %gt3A_182, %add3A_166, %select_n3A_161 : vector<16xi1>, vector<16xi32>
        %select_n3A_190 = arith.select %gt3A_181, %select_n3A_165, %select_n3A_189 : vector<16xi1>, vector<16xi32>
        %max3A_191 = arith.maximumf %max3A_162, %get3A_174 : vector<16xf32>
        %max3A_192 = arith.maximumf %max3A_163, %get3A_178 : vector<16xf32>
        %select_n3A_193 = arith.select %gt3A_179, %add3A_166, %select_n3A_164 : vector<16xi1>, vector<16xi32>
        %select_n3A_194 = arith.select %gt3A_181, %add3A_166, %select_n3A_165 : vector<16xi1>, vector<16xi32>
        %add3A_195 = arith.addi %add3A_166, %broadcast_in_dim3A_21 : vector<16xi32>
        %mul3A_196 = arith.constant 8 : i32
        %mul3A_197 = arith.muli %scan3A_75, %mul3A_196 : i32
        %add3A_198 = arith.constant 4 : i32
        %add3A_199 = arith.addi %mul3A_197, %add3A_198 : i32
        %get3A_200 = arith.index_cast %add3A_199 : i32 to index
        %get3A_201 = arith.index_cast %mul3A_14 : i32 to index
        %get3A_202 = tpu.vector_load %arg7[%get3A_200, %get3A_201] {strides = array<i32>} : memref<64x512xf32, #tpu.memory_space<vmem>>, vector<1x16xf32>,
        %get3A_203 = vector.shape_cast %get3A_202 : vector<1x16xf32> to vector<16xf32>
        %get3A_204 = arith.index_cast %add3A_199 : i32 to index
        %get3A_205 = arith.index_cast %add3A_16 : i32 to index
        %get3A_206 = tpu.vector_load %arg7[%get3A_204, %get3A_205] {strides = array<i32>} : memref<64x512xf32, #tpu.memory_space<vmem>>, vector<1x16xf32>,
        %get3A_207 = vector.shape_cast %get3A_206 : vector<1x16xf32> to vector<16xf32>
        %gt3A_208 = arith.cmpf ogt, %get3A_203, %max3A_191 : vector<16xf32>
        %gt3A_209 = arith.cmpf ogt, %get3A_203, %max3A_184 : vector<16xf32>
        %gt3A_210 = arith.cmpf ogt, %get3A_207, %max3A_192 : vector<16xf32>
        %gt3A_211 = arith.cmpf ogt, %get3A_207, %max3A_186 : vector<16xf32>
        %min3A_212 = arith.minimumf %max3A_191, %get3A_203 : vector<16xf32>
        %max3A_213 = arith.maximumf %max3A_184, %min3A_212 : vector<16xf32>
        %min3A_214 = arith.minimumf %max3A_192, %get3A_207 : vector<16xf32>
        %max3A_215 = arith.maximumf %max3A_186, %min3A_214 : vector<16xf32>
        %select_n3A_216 = arith.select %gt3A_209, %add3A_195, %select_n3A_188 : vector<16xi1>, vector<16xi32>
        %select_n3A_217 = arith.select %gt3A_208, %select_n3A_193, %select_n3A_216 : vector<16xi1>, vector<16xi32>
        %select_n3A_218 = arith.select %gt3A_211, %add3A_195, %select_n3A_190 : vector<16xi1>, vector<16xi32>
        %select_n3A_219 = arith.select %gt3A_210, %select_n3A_194, %select_n3A_218 : vector<16xi1>, vector<16xi32>
        %max3A_220 = arith.maximumf %max3A_191, %get3A_203 : vector<16xf32>
        %max3A_221 = arith.maximumf %max3A_192, %get3A_207 : vector<16xf32>
        %select_n3A_222 = arith.select %gt3A_208, %add3A_195, %select_n3A_193 : vector<16xi1>, vector<16xi32>
        %select_n3A_223 = arith.select %gt3A_210, %add3A_195, %select_n3A_194 : vector<16xi1>, vector<16xi32>
        %add3A_224 = arith.addi %add3A_195, %broadcast_in_dim3A_21 : vector<16xi32>
        %mul3A_225 = arith.constant 8 : i32
        %mul3A_226 = arith.muli %scan3A_75, %mul3A_225 : i32
        %add3A_227 = arith.constant 5 : i32
        %add3A_228 = arith.addi %mul3A_226, %add3A_227 : i32
        %get3A_229 = arith.index_cast %add3A_228 : i32 to index
        %get3A_230 = arith.index_cast %mul3A_14 : i32 to index
        %get3A_231 = tpu.vector_load %arg7[%get3A_229, %get3A_230] {strides = array<i32>} : memref<64x512xf32, #tpu.memory_space<vmem>>, vector<1x16xf32>,
        %get3A_232 = vector.shape_cast %get3A_231 : vector<1x16xf32> to vector<16xf32>
        %get3A_233 = arith.index_cast %add3A_228 : i32 to index
        %get3A_234 = arith.index_cast %add3A_16 : i32 to index
        %get3A_235 = tpu.vector_load %arg7[%get3A_233, %get3A_234] {strides = array<i32>} : memref<64x512xf32, #tpu.memory_space<vmem>>, vector<1x16xf32>,
        %get3A_236 = vector.shape_cast %get3A_235 : vector<1x16xf32> to vector<16xf32>
        %gt3A_237 = arith.cmpf ogt, %get3A_232, %max3A_220 : vector<16xf32>
        %gt3A_238 = arith.cmpf ogt, %get3A_232, %max3A_213 : vector<16xf32>
        %gt3A_239 = arith.cmpf ogt, %get3A_236, %max3A_221 : vector<16xf32>
        %gt3A_240 = arith.cmpf ogt, %get3A_236, %max3A_215 : vector<16xf32>
        %min3A_241 = arith.minimumf %max3A_220, %get3A_232 : vector<16xf32>
        %max3A_242 = arith.maximumf %max3A_213, %min3A_241 : vector<16xf32>
        %min3A_243 = arith.minimumf %max3A_221, %get3A_236 : vector<16xf32>
        %max3A_244 = arith.maximumf %max3A_215, %min3A_243 : vector<16xf32>
        %select_n3A_245 = arith.select %gt3A_238, %add3A_224, %select_n3A_217 : vector<16xi1>, vector<16xi32>
        %select_n3A_246 = arith.select %gt3A_237, %select_n3A_222, %select_n3A_245 : vector<16xi1>, vector<16xi32>
        %select_n3A_247 = arith.select %gt3A_240, %add3A_224, %select_n3A_219 : vector<16xi1>, vector<16xi32>
        %select_n3A_248 = arith.select %gt3A_239, %select_n3A_223, %select_n3A_247 : vector<16xi1>, vector<16xi32>
        %max3A_249 = arith.maximumf %max3A_220, %get3A_232 : vector<16xf32>
        %max3A_250 = arith.maximumf %max3A_221, %get3A_236 : vector<16xf32>
        %select_n3A_251 = arith.select %gt3A_237, %add3A_224, %select_n3A_222 : vector<16xi1>, vector<16xi32>
        %select_n3A_252 = arith.select %gt3A_239, %add3A_224, %select_n3A_223 : vector<16xi1>, vector<16xi32>
        %add3A_253 = arith.addi %add3A_224, %broadcast_in_dim3A_21 : vector<16xi32>
        %mul3A_254 = arith.constant 8 : i32
        %mul3A_255 = arith.muli %scan3A_75, %mul3A_254 : i32
        %add3A_256 = arith.constant 6 : i32
        %add3A_257 = arith.addi %mul3A_255, %add3A_256 : i32
        %get3A_258 = arith.index_cast %add3A_257 : i32 to index
        %get3A_259 = arith.index_cast %mul3A_14 : i32 to index
        %get3A_260 = tpu.vector_load %arg7[%get3A_258, %get3A_259] {strides = array<i32>} : memref<64x512xf32, #tpu.memory_space<vmem>>, vector<1x16xf32>,
        %get3A_261 = vector.shape_cast %get3A_260 : vector<1x16xf32> to vector<16xf32>
        %get3A_262 = arith.index_cast %add3A_257 : i32 to index
        %get3A_263 = arith.index_cast %add3A_16 : i32 to index
        %get3A_264 = tpu.vector_load %arg7[%get3A_262, %get3A_263] {strides = array<i32>} : memref<64x512xf32, #tpu.memory_space<vmem>>, vector<1x16xf32>,
        %get3A_265 = vector.shape_cast %get3A_264 : vector<1x16xf32> to vector<16xf32>
        %gt3A_266 = arith.cmpf ogt, %get3A_261, %max3A_249 : vector<16xf32>
        %gt3A_267 = arith.cmpf ogt, %get3A_261, %max3A_242 : vector<16xf32>
        %gt3A_268 = arith.cmpf ogt, %get3A_265, %max3A_250 : vector<16xf32>
        %gt3A_269 = arith.cmpf ogt, %get3A_265, %max3A_244 : vector<16xf32>
        %min3A_270 = arith.minimumf %max3A_249, %get3A_261 : vector<16xf32>
        %max3A_271 = arith.maximumf %max3A_242, %min3A_270 : vector<16xf32>
        %min3A_272 = arith.minimumf %max3A_250, %get3A_265 : vector<16xf32>
        %max3A_273 = arith.maximumf %max3A_244, %min3A_272 : vector<16xf32>
        %select_n3A_274 = arith.select %gt3A_267, %add3A_253, %select_n3A_246 : vector<16xi1>, vector<16xi32>
        %select_n3A_275 = arith.select %gt3A_266, %select_n3A_251, %select_n3A_274 : vector<16xi1>, vector<16xi32>
        %select_n3A_276 = arith.select %gt3A_269, %add3A_253, %select_n3A_248 : vector<16xi1>, vector<16xi32>
        %select_n3A_277 = arith.select %gt3A_268, %select_n3A_252, %select_n3A_276 : vector<16xi1>, vector<16xi32>
        %max3A_278 = arith.maximumf %max3A_249, %get3A_261 : vector<16xf32>
        %max3A_279 = arith.maximumf %max3A_250, %get3A_265 : vector<16xf32>
        %select_n3A_280 = arith.select %gt3A_266, %add3A_253, %select_n3A_251 : vector<16xi1>, vector<16xi32>
        %select_n3A_281 = arith.select %gt3A_268, %add3A_253, %select_n3A_252 : vector<16xi1>, vector<16xi32>
        %add3A_282 = arith.addi %add3A_253, %broadcast_in_dim3A_21 : vector<16xi32>
        %mul3A_283 = arith.constant 8 : i32
        %mul3A_284 = arith.muli %scan3A_75, %mul3A_283 : i32
        %add3A_285 = arith.constant 7 : i32
        %add3A_286 = arith.addi %mul3A_284, %add3A_285 : i32
        %get3A_287 = arith.index_cast %add3A_286 : i32 to index
        %get3A_288 = arith.index_cast %mul3A_14 : i32 to index
        %get3A_289 = tpu.vector_load %arg7[%get3A_287, %get3A_288] {strides = array<i32>} : memref<64x512xf32, #tpu.memory_space<vmem>>, vector<1x16xf32>,
        %get3A_290 = vector.shape_cast %get3A_289 : vector<1x16xf32> to vector<16xf32>
        %get3A_291 = arith.index_cast %add3A_286 : i32 to index
        %get3A_292 = arith.index_cast %add3A_16 : i32 to index
        %get3A_293 = tpu.vector_load %arg7[%get3A_291, %get3A_292] {strides = array<i32>} : memref<64x512xf32, #tpu.memory_space<vmem>>, vector<1x16xf32>,
        %get3A_294 = vector.shape_cast %get3A_293 : vector<1x16xf32> to vector<16xf32>
        %gt3A_295 = arith.cmpf ogt, %get3A_290, %max3A_278 : vector<16xf32>
        %gt3A_296 = arith.cmpf ogt, %get3A_290, %max3A_271 : vector<16xf32>
        %gt3A_297 = arith.cmpf ogt, %get3A_294, %max3A_279 : vector<16xf32>
        %gt3A_298 = arith.cmpf ogt, %get3A_294, %max3A_273 : vector<16xf32>
        %min3A_299 = arith.minimumf %max3A_278, %get3A_290 : vector<16xf32>
        %max3A_300 = arith.maximumf %max3A_271, %min3A_299 : vector<16xf32>
        %min3A_301 = arith.minimumf %max3A_279, %get3A_294 : vector<16xf32>
        %max3A_302 = arith.maximumf %max3A_273, %min3A_301 : vector<16xf32>
        %select_n3A_303 = arith.select %gt3A_296, %add3A_282, %select_n3A_275 : vector<16xi1>, vector<16xi32>
        %select_n3A_304 = arith.select %gt3A_295, %select_n3A_280, %select_n3A_303 : vector<16xi1>, vector<16xi32>
        %select_n3A_305 = arith.select %gt3A_298, %add3A_282, %select_n3A_277 : vector<16xi1>, vector<16xi32>
        %select_n3A_306 = arith.select %gt3A_297, %select_n3A_281, %select_n3A_305 : vector<16xi1>, vector<16xi32>
        %max3A_307 = arith.maximumf %max3A_278, %get3A_290 : vector<16xf32>
        %max3A_308 = arith.maximumf %max3A_279, %get3A_294 : vector<16xf32>
        %select_n3A_309 = arith.select %gt3A_295, %add3A_282, %select_n3A_280 : vector<16xi1>, vector<16xi32>
        %select_n3A_310 = arith.select %gt3A_297, %add3A_282, %select_n3A_281 : vector<16xi1>, vector<16xi32>
        %add3A_311 = arith.addi %add3A_282, %broadcast_in_dim3A_21 : vector<16xi32>
        scf.yield %max3A_307, %max3A_300, %select_n3A_309, %select_n3A_304, %max3A_308, %max3A_302, %select_n3A_310, %select_n3A_306, %add3A_311 : vector<16xf32>, vector<16xf32>, vector<16xi32>, vector<16xi32>, vector<16xf32>, vector<16xf32>, vector<16xi32>, vector<16xi32>, vector<16xi32>
      }
      %scan3A_27 = arith.constant 8 : i32
      %sub3A = arith.subf %scan3A_26#1, %scan3A_26#0 : vector<16xf32>
      %exp3A = math.exp %sub3A : vector<16xf32>
      %sub3A_28 = arith.subf %scan3A_26#5, %scan3A_26#4 : vector<16xf32>
      %exp3A_29 = math.exp %sub3A_28 : vector<16xf32>
      %add3A_30 = arith.constant 1.000000e+00 : f32
      %add3A_31 = vector.broadcast %add3A_30 : f32 to vector<16xf32>
      %add3A_32 = arith.addf %add3A_31, %exp3A : vector<16xf32>
      %div3A = arith.constant 1.000000e+00 : f32
      %div3A_33 = vector.broadcast %div3A : f32 to vector<16xf32>
      %div3A_34 = arith.divf %div3A_33, %add3A_32 : vector<16xf32>
      %add3A_35 = arith.constant 1.000000e+00 : f32
      %add3A_36 = vector.broadcast %add3A_35 : f32 to vector<16xf32>
      %add3A_37 = arith.addf %add3A_36, %exp3A_29 : vector<16xf32>
      %div3A_38 = arith.constant 1.000000e+00 : f32
      %div3A_39 = vector.broadcast %div3A_38 : f32 to vector<16xf32>
      %div3A_40 = arith.divf %div3A_39, %add3A_37 : vector<16xf32>
      %swap3A = arith.index_cast %mul3A_14 : i32 to index
      %swap3A_41 = tpu.vector_load %arg8[%swap3A] {strides = array<i32>} : memref<512xf32, #tpu.memory_space<vmem>>, vector<16xf32>,
      %swap3A_42 = vector.shape_cast %swap3A_41 : vector<16xf32> to vector<16xf32>
      %swap3A_43 = vector.shape_cast %div3A_34 : vector<16xf32> to vector<16xf32>
      tpu.vector_store %arg8[%swap3A], %swap3A_43 {strides = array<i32>} : memref<512xf32, #tpu.memory_space<vmem>>, vector<16xf32>,
      %mul3A_44 = arith.mulf %exp3A, %div3A_34 : vector<16xf32>
      %swap3A_45 = arith.index_cast %mul3A_14 : i32 to index
      %swap3A_46 = tpu.vector_load %arg9[%swap3A_45] {strides = array<i32>} : memref<512xf32, #tpu.memory_space<vmem>>, vector<16xf32>,
      %swap3A_47 = vector.shape_cast %swap3A_46 : vector<16xf32> to vector<16xf32>
      %swap3A_48 = vector.shape_cast %mul3A_44 : vector<16xf32> to vector<16xf32>
      tpu.vector_store %arg9[%swap3A_45], %swap3A_48 {strides = array<i32>} : memref<512xf32, #tpu.memory_space<vmem>>, vector<16xf32>,
      %swap3A_49 = arith.index_cast %mul3A_14 : i32 to index
      %swap3A_50 = tpu.vector_load %arg10[%swap3A_49] {strides = array<i32>} : memref<512xi32, #tpu.memory_space<vmem>>, vector<16xi32>,
      %swap3A_51 = vector.shape_cast %swap3A_50 : vector<16xi32> to vector<16xi32>
      %swap3A_52 = vector.shape_cast %scan3A_26#2 : vector<16xi32> to vector<16xi32>
      tpu.vector_store %arg10[%swap3A_49], %swap3A_52 {strides = array<i32>} : memref<512xi32, #tpu.memory_space<vmem>>, vector<16xi32>,
      %swap3A_53 = arith.index_cast %mul3A_14 : i32 to index
      %swap3A_54 = tpu.vector_load %arg11[%swap3A_53] {strides = array<i32>} : memref<512xi32, #tpu.memory_space<vmem>>, vector<16xi32>,
      %swap3A_55 = vector.shape_cast %swap3A_54 : vector<16xi32> to vector<16xi32>
      %swap3A_56 = vector.shape_cast %scan3A_26#3 : vector<16xi32> to vector<16xi32>
      tpu.vector_store %arg11[%swap3A_53], %swap3A_56 {strides = array<i32>} : memref<512xi32, #tpu.memory_space<vmem>>, vector<16xi32>,
      %swap3A_57 = arith.index_cast %add3A_16 : i32 to index
      %swap3A_58 = tpu.vector_load %arg8[%swap3A_57] {strides = array<i32>} : memref<512xf32, #tpu.memory_space<vmem>>, vector<16xf32>,
      %swap3A_59 = vector.shape_cast %swap3A_58 : vector<16xf32> to vector<16xf32>
      %swap3A_60 = vector.shape_cast %div3A_40 : vector<16xf32> to vector<16xf32>
      tpu.vector_store %arg8[%swap3A_57], %swap3A_60 {strides = array<i32>} : memref<512xf32, #tpu.memory_space<vmem>>, vector<16xf32>,
      %mul3A_61 = arith.mulf %exp3A_29, %div3A_40 : vector<16xf32>
      %swap3A_62 = arith.index_cast %add3A_16 : i32 to index
      %swap3A_63 = tpu.vector_load %arg9[%swap3A_62] {strides = array<i32>} : memref<512xf32, #tpu.memory_space<vmem>>, vector<16xf32>,
      %swap3A_64 = vector.shape_cast %swap3A_63 : vector<16xf32> to vector<16xf32>
      %swap3A_65 = vector.shape_cast %mul3A_61 : vector<16xf32> to vector<16xf32>
      tpu.vector_store %arg9[%swap3A_62], %swap3A_65 {strides = array<i32>} : memref<512xf32, #tpu.memory_space<vmem>>, vector<16xf32>,
      %swap3A_66 = arith.index_cast %add3A_16 : i32 to index
      %swap3A_67 = tpu.vector_load %arg10[%swap3A_66] {strides = array<i32>} : memref<512xi32, #tpu.memory_space<vmem>>, vector<16xi32>,
      %swap3A_68 = vector.shape_cast %swap3A_67 : vector<16xi32> to vector<16xi32>
      %swap3A_69 = vector.shape_cast %scan3A_26#6 : vector<16xi32> to vector<16xi32>
      tpu.vector_store %arg10[%swap3A_66], %swap3A_69 {strides = array<i32>} : memref<512xi32, #tpu.memory_space<vmem>>, vector<16xi32>,
      %swap3A_70 = arith.index_cast %add3A_16 : i32 to index
      %swap3A_71 = tpu.vector_load %arg11[%swap3A_70] {strides = array<i32>} : memref<512xi32, #tpu.memory_space<vmem>>, vector<16xi32>,
      %swap3A_72 = vector.shape_cast %swap3A_71 : vector<16xi32> to vector<16xi32>
      %swap3A_73 = vector.shape_cast %scan3A_26#7 : vector<16xi32> to vector<16xi32>
      tpu.vector_store %arg11[%swap3A_70], %swap3A_73 {strides = array<i32>} : memref<512xi32, #tpu.memory_space<vmem>>, vector<16xi32>,
      %scan3A_74 = arith.constant 0 : i32
      scf.yield %scan3A_74 : i32
    }
    %scan3A_8 = arith.constant 16 : i32
    "tpu.region"() ({
      %run_scoped3A = tpu.sem_alloc : memref<!tpu.dma_semaphore, #tpu.memory_space<semaphore_mem>>
      %dma_start3A = tpu.memref_slice %arg3[%mul3A_2] : memref<16384xf32, #tpu.memory_space<hbm>> -> memref<512xf32, #tpu.memory_space<hbm>>
      %dma_start3A_9 = tpu.memref_slice %arg3[%mul3A_2] : memref<16384xf32, #tpu.memory_space<hbm>> -> memref<512xf32, #tpu.memory_space<hbm>>
      tpu.enqueue_dma source(%arg8 : memref<512xf32, #tpu.memory_space<vmem>>) target(%dma_start3A_9 : memref<512xf32, #tpu.memory_space<hbm>>) target_semaphore(%run_scoped3A : memref<!tpu.dma_semaphore, #tpu.memory_space<semaphore_mem>>)
      %dma_wait3A = tpu.memref_slice %arg3[%mul3A_2] : memref<16384xf32, #tpu.memory_space<hbm>> -> memref<512xf32, #tpu.memory_space<hbm>>
      %dma_wait3A_10 = tpu.memref_slice %arg3[%mul3A_2] : memref<16384xf32, #tpu.memory_space<hbm>> -> memref<512xf32, #tpu.memory_space<hbm>>
      tpu.wait_dma2 semaphore(%run_scoped3A : memref<!tpu.dma_semaphore, #tpu.memory_space<semaphore_mem>>) src(%arg8 : memref<512xf32, #tpu.memory_space<vmem>>) dst(%dma_wait3A_10 : memref<512xf32, #tpu.memory_space<hbm>>)
      tpu.yield
    }) : () -> ()
    "tpu.region"() ({
      %run_scoped3A = tpu.sem_alloc : memref<!tpu.dma_semaphore, #tpu.memory_space<semaphore_mem>>
      %dma_start3A = tpu.memref_slice %arg4[%mul3A_2] : memref<16384xf32, #tpu.memory_space<hbm>> -> memref<512xf32, #tpu.memory_space<hbm>>
      %dma_start3A_9 = tpu.memref_slice %arg4[%mul3A_2] : memref<16384xf32, #tpu.memory_space<hbm>> -> memref<512xf32, #tpu.memory_space<hbm>>
      tpu.enqueue_dma source(%arg9 : memref<512xf32, #tpu.memory_space<vmem>>) target(%dma_start3A_9 : memref<512xf32, #tpu.memory_space<hbm>>) target_semaphore(%run_scoped3A : memref<!tpu.dma_semaphore, #tpu.memory_space<semaphore_mem>>)
      %dma_wait3A = tpu.memref_slice %arg4[%mul3A_2] : memref<16384xf32, #tpu.memory_space<hbm>> -> memref<512xf32, #tpu.memory_space<hbm>>
      %dma_wait3A_10 = tpu.memref_slice %arg4[%mul3A_2] : memref<16384xf32, #tpu.memory_space<hbm>> -> memref<512xf32, #tpu.memory_space<hbm>>
      tpu.wait_dma2 semaphore(%run_scoped3A : memref<!tpu.dma_semaphore, #tpu.memory_space<semaphore_mem>>) src(%arg9 : memref<512xf32, #tpu.memory_space<vmem>>) dst(%dma_wait3A_10 : memref<512xf32, #tpu.memory_space<hbm>>)
      tpu.yield
    }) : () -> ()
    "tpu.region"() ({
      %run_scoped3A = tpu.sem_alloc : memref<!tpu.dma_semaphore, #tpu.memory_space<semaphore_mem>>
      %dma_start3A = tpu.memref_slice %arg5[%mul3A_2] : memref<16384xi32, #tpu.memory_space<hbm>> -> memref<512xi32, #tpu.memory_space<hbm>>
      %dma_start3A_9 = tpu.memref_slice %arg5[%mul3A_2] : memref<16384xi32, #tpu.memory_space<hbm>> -> memref<512xi32, #tpu.memory_space<hbm>>
      tpu.enqueue_dma source(%arg10 : memref<512xi32, #tpu.memory_space<vmem>>) target(%dma_start3A_9 : memref<512xi32, #tpu.memory_space<hbm>>) target_semaphore(%run_scoped3A : memref<!tpu.dma_semaphore, #tpu.memory_space<semaphore_mem>>)
      %dma_wait3A = tpu.memref_slice %arg5[%mul3A_2] : memref<16384xi32, #tpu.memory_space<hbm>> -> memref<512xi32, #tpu.memory_space<hbm>>
      %dma_wait3A_10 = tpu.memref_slice %arg5[%mul3A_2] : memref<16384xi32, #tpu.memory_space<hbm>> -> memref<512xi32, #tpu.memory_space<hbm>>
      tpu.wait_dma2 semaphore(%run_scoped3A : memref<!tpu.dma_semaphore, #tpu.memory_space<semaphore_mem>>) src(%arg10 : memref<512xi32, #tpu.memory_space<vmem>>) dst(%dma_wait3A_10 : memref<512xi32, #tpu.memory_space<hbm>>)
      tpu.yield
    }) : () -> ()
    "tpu.region"() ({
      %run_scoped3A = tpu.sem_alloc : memref<!tpu.dma_semaphore, #tpu.memory_space<semaphore_mem>>
      %dma_start3A = tpu.memref_slice %arg6[%mul3A_2] : memref<16384xi32, #tpu.memory_space<hbm>> -> memref<512xi32, #tpu.memory_space<hbm>>
      %dma_start3A_9 = tpu.memref_slice %arg6[%mul3A_2] : memref<16384xi32, #tpu.memory_space<hbm>> -> memref<512xi32, #tpu.memory_space<hbm>>
      tpu.enqueue_dma source(%arg11 : memref<512xi32, #tpu.memory_space<vmem>>) target(%dma_start3A_9 : memref<512xi32, #tpu.memory_space<hbm>>) target_semaphore(%run_scoped3A : memref<!tpu.dma_semaphore, #tpu.memory_space<semaphore_mem>>)
      %dma_wait3A = tpu.memref_slice %arg6[%mul3A_2] : memref<16384xi32, #tpu.memory_space<hbm>> -> memref<512xi32, #tpu.memory_space<hbm>>
      %dma_wait3A_10 = tpu.memref_slice %arg6[%mul3A_2] : memref<16384xi32, #tpu.memory_space<hbm>> -> memref<512xi32, #tpu.memory_space<hbm>>
      tpu.wait_dma2 semaphore(%run_scoped3A : memref<!tpu.dma_semaphore, #tpu.memory_space<semaphore_mem>>) src(%arg11 : memref<512xi32, #tpu.memory_space<vmem>>) dst(%dma_wait3A_10 : memref<512xi32, #tpu.memory_space<hbm>>)
      tpu.yield
    }) : () -> ()
    return
  }
}

module attributes {stable_mosaic.version = 14 : i64} {
  func.func @_logits_body(%arg0: i32, %arg1: memref<2048x2048xf32, #tpu.memory_space<vmem>>, %arg2: memref<64x2048xf32, #tpu.memory_space<vmem>>, %arg3: memref<64x1xf32, #tpu.memory_space<vmem>>, %arg4: memref<4x64x512xf32, #tpu.memory_space<vmem>>) attributes {dimension_semantics = [#tpu.dimension_semantics<arbitrary>], iteration_bounds = array<i64: 8>, scalar_prefetch = 0 : i64, scratch_operands = 0 : i64, tpu.core_type = #tpu.core_type<tc>, window_params = [{transform_indices = @transform_0, window_bounds = array<i64: 2048, 2048>}, {pipeline_mode = #tpu.pipeline_mode<synchronous>, transform_indices = @transform_1, window_bounds = array<i64: 64, 2048>}, {pipeline_mode = #tpu.pipeline_mode<synchronous>, transform_indices = @transform_2, window_bounds = array<i64: 64, 1>}, {transform_indices = @transform_3, window_bounds = array<i64: 4, 64, 512>}]} {
    %get3A = arith.constant 0 : index
    %get3A_0 = arith.constant 0 : index
    %get3A_1 = vector.load %arg1[%get3A, %get3A_0] : memref<2048x2048xf32, #tpu.memory_space<vmem>>, vector<2048x2048xf32>
    %get3A_2 = arith.constant 0 : index
    %get3A_3 = arith.constant 0 : index
    %get3A_4 = vector.load %arg2[%get3A_2, %get3A_3] : memref<64x2048xf32, #tpu.memory_space<vmem>>, vector<64x2048xf32>
    %dot_general3A = arith.constant dense<0.000000e+00> : vector<64x2048xf32>
    %dot_general3A_5 = tpu.matmul %get3A_4, %get3A_1, %dot_general3A {dimension_numbers = #tpu.dot_dimension_numbers<[1], [1], [0], [0], [0, 0, 1, 0], [], []>, transpose_lhs_hint = false} : vector<64x2048xf32>, vector<2048x2048xf32>, vector<64x2048xf32> -> vector<64x2048xf32>
    %get3A_6 = arith.constant 0 : index
    %get3A_7 = arith.constant 0 : index
    %get3A_8 = vector.load %arg3[%get3A_6, %get3A_7] : memref<64x1xf32, #tpu.memory_space<vmem>>, vector<64x1xf32>
    %add3A = vector.broadcast %get3A_8 : vector<64x1xf32> to vector<64x2048xf32>
    %add3A_9 = arith.addf %dot_general3A_5, %add3A : vector<64x2048xf32>
    %slice3A = vector.extract_strided_slice %add3A_9 {offsets = [0, 0], sizes = [64, 512], strides = [1, 1]} : vector<64x2048xf32> to vector<64x512xf32>
    %swap3A = arith.constant 0 : index
    %swap3A_10 = arith.constant 0 : index
    %swap3A_11 = arith.constant 0 : index
    %swap3A_12 = vector.load %arg4[%swap3A, %swap3A_10, %swap3A_11] : memref<4x64x512xf32, #tpu.memory_space<vmem>>, vector<1x64x512xf32>
    %swap3A_13 = vector.shape_cast %swap3A_12 : vector<1x64x512xf32> to vector<64x512xf32>
    %swap3A_14 = vector.shape_cast %slice3A : vector<64x512xf32> to vector<1x64x512xf32>
    tpu.vector_store %arg4[%swap3A, %swap3A_10, %swap3A_11], %swap3A_14 {strides = array<i32>} : memref<4x64x512xf32, #tpu.memory_space<vmem>>, vector<1x64x512xf32>,
    %slice3A_15 = vector.extract_strided_slice %add3A_9 {offsets = [0, 512], sizes = [64, 512], strides = [1, 1]} : vector<64x2048xf32> to vector<64x512xf32>
    %swap3A_16 = arith.constant 1 : index
    %swap3A_17 = arith.constant 0 : index
    %swap3A_18 = arith.constant 0 : index
    %swap3A_19 = vector.load %arg4[%swap3A_16, %swap3A_17, %swap3A_18] : memref<4x64x512xf32, #tpu.memory_space<vmem>>, vector<1x64x512xf32>
    %swap3A_20 = vector.shape_cast %swap3A_19 : vector<1x64x512xf32> to vector<64x512xf32>
    %swap3A_21 = vector.shape_cast %slice3A_15 : vector<64x512xf32> to vector<1x64x512xf32>
    tpu.vector_store %arg4[%swap3A_16, %swap3A_17, %swap3A_18], %swap3A_21 {strides = array<i32>} : memref<4x64x512xf32, #tpu.memory_space<vmem>>, vector<1x64x512xf32>,
    %slice3A_22 = vector.extract_strided_slice %add3A_9 {offsets = [0, 1024], sizes = [64, 512], strides = [1, 1]} : vector<64x2048xf32> to vector<64x512xf32>
    %swap3A_23 = arith.constant 2 : index
    %swap3A_24 = arith.constant 0 : index
    %swap3A_25 = arith.constant 0 : index
    %swap3A_26 = vector.load %arg4[%swap3A_23, %swap3A_24, %swap3A_25] : memref<4x64x512xf32, #tpu.memory_space<vmem>>, vector<1x64x512xf32>
    %swap3A_27 = vector.shape_cast %swap3A_26 : vector<1x64x512xf32> to vector<64x512xf32>
    %swap3A_28 = vector.shape_cast %slice3A_22 : vector<64x512xf32> to vector<1x64x512xf32>
    tpu.vector_store %arg4[%swap3A_23, %swap3A_24, %swap3A_25], %swap3A_28 {strides = array<i32>} : memref<4x64x512xf32, #tpu.memory_space<vmem>>, vector<1x64x512xf32>,
    %slice3A_29 = vector.extract_strided_slice %add3A_9 {offsets = [0, 1536], sizes = [64, 512], strides = [1, 1]} : vector<64x2048xf32> to vector<64x512xf32>
    %swap3A_30 = arith.constant 3 : index
    %swap3A_31 = arith.constant 0 : index
    %swap3A_32 = arith.constant 0 : index
    %swap3A_33 = vector.load %arg4[%swap3A_30, %swap3A_31, %swap3A_32] : memref<4x64x512xf32, #tpu.memory_space<vmem>>, vector<1x64x512xf32>
    %swap3A_34 = vector.shape_cast %swap3A_33 : vector<1x64x512xf32> to vector<64x512xf32>
    %swap3A_35 = vector.shape_cast %slice3A_29 : vector<64x512xf32> to vector<1x64x512xf32>
    tpu.vector_store %arg4[%swap3A_30, %swap3A_31, %swap3A_32], %swap3A_35 {strides = array<i32>} : memref<4x64x512xf32, #tpu.memory_space<vmem>>, vector<1x64x512xf32>,
    return
  }
  func.func @transform_0(%arg0: i32) -> (i32, i32) {
    %c0_i32 = arith.constant 0 : i32
    %c0_i32_0 = arith.constant 0 : i32
    return %arg0, %c0_i32 : i32, i32
  }
  func.func @transform_1(%arg0: i32) -> (i32, i32) {
    %c0_i32 = arith.constant 0 : i32
    %c0_i32_0 = arith.constant 0 : i32
    %c0_i32_1 = arith.constant 0 : i32
    return %c0_i32, %c0_i32_0 : i32, i32
  }
  func.func @transform_2(%arg0: i32) -> (i32, i32) {
    %c0_i32 = arith.constant 0 : i32
    %c0_i32_0 = arith.constant 0 : i32
    %c0_i32_1 = arith.constant 0 : i32
    return %c0_i32, %c0_i32_0 : i32, i32
  }
  func.func @transform_3(%arg0: i32) -> (i32, i32, i32) {
    %c0_i32 = arith.constant 0 : i32
    %c0_i32_0 = arith.constant 0 : i32
    %c0_i32_1 = arith.constant 0 : i32
    return %arg0, %c0_i32, %c0_i32_0 : i32, i32, i32
  }
}

</mosaic_0001>

<sc_bundles>
// kernel: kernel.4.cloned.1.call-start
scs
__scs_entry_jumppad:
0x0: {  	(pc) =	sbr.rel $0x88, $3  }
0x1: {  	(tag) =	ssettag $0x0;
	lr =	simm.s32 $0x1  }
0x2: {  	[smem:$0x3F9E] =	sst lr;
	_ =	strace $0xD0000000  }
0x3: {  	_ = 	snop  }
0x4: {  	_ = 	snop  }
0x5: {  	_ = 	snop  }
0x6: {  	_ = 	snop  }
0x7: {  	_ = 	snop  }
__scs_overlays_trampoline_lowered:
0x8: {  	[smem:$0x3FAD] =	sst s0  }
0x9: {  	[smem:$0x3FAE] =	sst s1  }
0xa: {  	[smem:$0x3FAF] =	sst s2  }
0xb: {  	[smem:$0x3FB0] =	sst s3  }
0xc: {  	[smem:$0x3FB1] =	sst s4  }
0xd: {  	[smem:$0x3FB2] =	sst s5  }
0xe: {  	[smem:$0x3FB3] =	sst s6  }
0xf: {  	[smem:$0x3FB4] =	sst s7  }
0x10: {  	[smem:$0x3FB5] =	sst s8  }
0x11: {  	[smem:$0x3FB6] =	sst s9;
	s0 =	simm.s32 @!p0 $0x0  }
0x12: {  	s1 =	sld [smem:$0x3F9C];
	s0 =	simm.s32 @p0 $0x1  }
0x13: {  	[smem:$0x3FB7] =	sst s0;
	s0 =	simm.s32 @!p1 $0x0  }
0x14: {  	s2 =	sld [smem:$0x3F9B];
	s0 =	simm.s32 @p1 $0x1  }
0x15: {  	[smem:$0x3FB8] =	sst s0;
	s0 =	simm.s32 @!p2 $0x0  }
0x16: {  	s3 =	sld [smem:$0x3FDB];
	s0 =	simm.s32 @p2 $0x1  }
0x17: {  	s4 =	simm.s32 $0x1BF5;
	[smem:$0x3FBA] =	sst s0  }
0x18: {  	s0 =	sld [smem:$0x3F9D];
	_ =	swait.ge [sflag:s4], $0x0  }
0x19: {  	s7 =	sld [smem:$0x3F9E]  }
0x1a: {  	s8 =	sadd.s32 $0xFFFFE003, lr  }
0x1b: {  	s9 =	sadd.s32 $0xFFFFFEF7, lr;
	s5 =	simm.s32 $0xFFFFFFFF;
	p2 =	slt.u32 s8, $0xFFFFF086  }
0x1c: {  	p1 =	slt.u32 s9, $0xF7A;
	s5 =	simm.s32 @!p2 $0x0  }
0x1d: {  	s5 =	simm.s32 @p1 $0x1;
	p0 =	seq.s32 s7, s2  }
0x1e: {  	s7 =	smul.u32 @!p0 $0xF7A, s2;
	p2 =	seq.s32 @!p0 s5, $0x0  }
0x1f: {  	s9 =	smul.u32 $0xF7A, s1;
	s8 =	simm.s32 @!p0 $0x1BF5;
	p2 =	por !p2, p0  }
0x20: {  	[sflag:s8] =	ssyncset.s32 @!p0 $0xFFFFF086;
	s6 =	sadd.s32 @!p0 s3, s7;
	s7 =	simm.s32 @!p0 $0x108  }
0x21: {  	s3 =	sadd.s32 s3, s9;
	s6 =	sadd.s32 @!p0 $0x88, s6;
	s7 =	simm.s32 @p2 $0x1082  }
0x22: {  	[simem:s7], [sflag:s8] =	dma.local @!p0 [hbm:s6], $0xF7A  }
0x23: {  	s9 =	sor.u32 $0xD0000000, s2;
	s6 =	simm.s32 $0x108;
	_ =	swait.ge @!p0 [sflag:s8], $0x0  }
0x24: {  	s3 =	sadd.s32 $0x88, s3;
	s6 =	simm.s32 @!p1 $0x1082;
	[sflag:s4] =	ssyncset.s32 $0xFFFFF086  }
0x25: {  	[simem:s6], [sflag:s4] =	dma.local [hbm:s3], $0xF7A  }
0x26: {  	[smem:$0x3F9E] =	sst s1;
	(tag) =	ssettag s2;
	_ =	strace s9  }
0x27: {  	s1 =	sld [smem:$0x3FAE]  }
0x28: {  	s2 =	sld [smem:$0x3FAF]  }
0x29: {  	s4 =	sld [smem:$0x3FB1]  }
0x2a: {  	p0 =	seq.s32 s5, $0x0;
	s5 =	sld [smem:$0x3FB2]  }
0x2b: {  	s6 =	sld [smem:$0x3FB3]  }
0x2c: {  	s7 =	sld [smem:$0x3FB4]  }
0x2d: {  	s3 =	simm.s32 $0x108;
	s8 =	sld [smem:$0x3FB5]  }
0x2e: {  	s3 =	simm.s32 @!p0 $0x1082;
	s9 =	sld [smem:$0x3FB6]  }
0x2f: {  	lr =	sadd.s32 s0, s3;
	s0 =	sld [smem:$0x3FAD]  }
0x30: {  	s3 =	sld [smem:$0x3FB0]  }
0x31: {  	[smem:$0x3FB9] =	sst s10  }
0x32: {  	s10 =	sld [smem:$0x3FB7];
	_ =	sdelay $0x3  }
0x33: {  	p0 =	seq.s32 s10, $0x1;
	s10 =	sld [smem:$0x3FB9];
	_ =	sdelay $0x3  }
0x34: {  	[smem:$0x3FB9] =	sst s10  }
0x35: {  	s10 =	sld [smem:$0x3FB8];
	_ =	sdelay $0x3  }
0x36: {  	p1 =	seq.s32 s10, $0x1;
	s10 =	sld [smem:$0x3FB9];
	_ =	sdelay $0x3  }
0x37: {  	[smem:$0x3FB9] =	sst s10  }
0x38: {  	s10 =	sld [smem:$0x3FBA]  }
0x39: {  	_ = 	snop;
	(pc) =	sbr.ind lr, $3  }
0x3a: {  	_ = 	snop  }
0x3b: {  	_ = 	snop  }
0x3c: {  	p2 =	seq.s32 s10, $0x1;
	s10 =	sld [smem:$0x3FB9]  }
0x3d: {  	_ =	shalt  }
0x3e: {  	_ =	shalt  }
0x3f: {  	_ =	shalt  }
0x40: {  	_ =	shalt  }
0x41: {  	_ =	shalt  }
0x42: {  	_ =	shalt  }
0x43: {  	_ =	shalt  }
0x44: {  	_ =	shalt  }
0x45: {  	_ =	shalt  }
0x46: {  	_ =	shalt  }
0x47: {  	_ =	shalt  }
0x48: {  	_ =	shalt  }
0x49: {  	_ =	shalt  }
0x4a: {  	_ =	shalt  }
0x4b: {  	_ =	shalt  }
0x4c: {  	_ =	shalt  }
0x4d: {  	_ =	shalt  }
0x4e: {  	_ =	shalt  }
0x4f: {  	_ =	shalt  }
0x50: {  	_ =	shalt  }
0x51: {  	_ =	shalt  }
0x52: {  	_ =	shalt  }
0x53: {  	_ =	shalt  }
0x54: {  	_ =	shalt  }
0x55: {  	_ =	shalt  }
0x56: {  	_ =	shalt  }
0x57: {  	_ =	shalt  }
0x58: {  	_ =	shalt  }
0x59: {  	_ =	shalt  }
0x5a: {  	_ =	shalt  }
0x5b: {  	_ =	shalt  }
0x5c: {  	_ =	shalt  }
0x5d: {  	_ =	shalt  }
0x5e: {  	_ =	shalt  }
0x5f: {  	_ =	shalt  }
0x60: {  	_ =	shalt  }
0x61: {  	_ =	shalt  }
0x62: {  	_ =	shalt  }
0x63: {  	_ =	shalt  }
0x64: {  	_ =	shalt  }
0x65: {  	_ =	shalt  }
0x66: {  	_ =	shalt  }
0x67: {  	_ =	shalt  }
0x68: {  	_ =	shalt  }
0x69: {  	_ =	shalt  }
0x6a: {  	_ =	shalt  }
0x6b: {  	_ =	shalt  }
0x6c: {  	_ =	shalt  }
0x6d: {  	_ =	shalt  }
0x6e: {  	_ =	shalt  }
0x6f: {  	_ =	shalt  }
0x70: {  	_ =	shalt  }
0x71: {  	_ =	shalt  }
0x72: {  	_ =	shalt  }
0x73: {  	_ =	shalt  }
0x74: {  	_ =	shalt  }
0x75: {  	_ =	shalt  }
0x76: {  	_ =	shalt  }
0x77: {  	_ =	shalt  }
0x78: {  	_ =	shalt  }
0x79: {  	_ =	shalt  }
0x7a: {  	_ =	shalt  }
0x7b: {  	_ =	shalt  }
0x7c: {  	_ =	shalt  }
0x7d: {  	_ =	shalt  }
0x7e: {  	_ =	shalt  }
0x7f: {  	_ =	shalt  }
0x80: {  	_ =	shalt  }
0x81: {  	_ =	shalt  }
0x82: {  	_ =	shalt  }
0x83: {  	_ =	shalt  }
0x84: {  	_ =	shalt  }
0x85: {  	_ =	shalt  }
0x86: {  	_ =	shalt  }
0x87: {  	_ =	shalt  }
.Lfunc_end0:
.L_simem_size_0:
called_computation_lowered:
.L_overlay_start_0:
0x88: {  	s2 =	sld [smem:$0x3FD9]  }
0x89: {  	s3 =	sld [smem:$0x3FFE];
	_ =	sdelay $0x1  }
0x8a: {  	s1 =	srdreg.scid  }
0x8b: {  	s0 =	sand.u32 $0x1, s1  }
0x8c: {  	s14 =	sshll.u32 s0, $0xA;
	s2 =	sadd.s32 s3, s2  }
0x8d: {  	s2 =	sadd.s32 s2, s14  }
0x8e: {  	[smem:$0x3FC5] =	sst s2  }
0x8f: {  	_ = 	snop  }
0x90: {  	s2 =	sld [smem:$0x3FD0];
	_ =	sdelay $0x2  }
0x91: {  	s15 =	simm.s32 $0xA;
	s4 =	simm.s32 $0x10  }
0x92: {  	[smem:s4], [sflag:s15] =	dma.local [hbm:s2], $0x1  }
0x93: {  	_ =	swait.eq [sflag:s15], $0x1  }
0x94: {  	[sflag:s15] =	ssyncset.done $0x0  }
0x95: {  	[sflag:s15] =	ssyncadd.s32 $0xFFFFFFFF  }
0x96: {  	s16 =	sld [smem:$0x11];
	(tm) =	ssettm $0x1  }
0x97: {  	s17 =	sld [smem:$0x3FFB];
	_ =	sdelay $0x3  }
0x98: {  	_ =	strace s17  }
0x99: {  	s3 =	sld [smem:$0x3FFC];
	_ =	sdelay $0x3  }
0x9a: {  	_ =	strace s3  }
0x9b: {  	s3 =	sld [smem:$0x3FFD];
	_ =	sdelay $0x3  }
0x9c: {  	_ =	strace s3  }
0x9d: {  	_ =	strace $0x8FFFFFFF  }
0x9e: {  	s18 =	sld [smem:$0x3FDB];
	_ =	sdelay $0x1  }
0x9f: {  	s19 =	simm.s32 $_scs_section_size  }
0xa0: {  	s5 =	simm.s32 $_size__tile_overlayer_lowered;
	s6 =	simm.s32 $_tile_overlayer_lowered  }
0xa1: {  	s22 =	simm.s32 $0x1BFF;
	s21 =	sshll.u32 s6, $0x1;
	s3 =	sadd.s32 s19, s18  }
0xa2: {  	s7 =	simm.s32 $0x0;
	s20 =	sshll.u32 s5, $0x1;
	s5 =	sadd.s32 s21, s3  }
0xa3: {  	[timem:s7], [sflag:s22] =	dma.local [hbm:s5], s20  }
0xa4: {  	_ =	swait.ge [sflag:s22], s20  }
0xa5: {  	s4 =	ssub.s32 $0x0, s20;
	[sflag:s22] =	ssyncset.done $0x0  }
0xa6: {  	[sflag:s22] =	ssyncadd.s32 s4;
	_ =	sdelay $0x1  }
0xa7: {  	s23 =	simm.s32 $0x1B8B  }
0xa8: {  	_ =	swait.ge [sflag:s23], $0x1  }
0xa9: {  	[sflag:s23] =	ssyncset.done $0x0  }
0xaa: {  	s25 =	simm.s32 $0x1B8E;
	s24 =	sld [smem:$0x3FFE];
	[sflag:s23] =	ssyncadd.s32 $0xFFFFFFFF  }
0xab: {  	s26 =	simm.s32 $execute0_lowered;
	[smem:$0x3FD2] =	sst s25  }
0xac: {  	s5 =	sshll.u32 s26, $0x1;
	_ =	strace $0x80000046;
	[dreg:$0x1] =	wrdreg $0xFFFFFFFF  }
0xad: {  	s28 =	simm.s32 $_size_execute0_lowered;
	s3 =	sadd.s32 s3, s5;
	[dreg:$0x0] =	wrdreg $0x0  }
0xae: {  	s5 =	sshll.u32 s28, $0x1;
	[dreg:$0x2] =	wrdreg s3  }
0xaf: {  	[dreg:$0x3] =	wrdreg s5  }
0xb0: {  	[dreg:$0x4] =	wrdreg $0xC0  }
0xb1: {  	_ =	task [dreg:s7], $0x5FFFF  }
0xb2: {  	[dreg:$0x1] =	wrdreg $0xFFFFFFFF  }
0xb3: {  	[dreg:$0x0] =	wrdreg $0x60  }
0xb4: {  	[dreg:$0x2] =	wrdreg s24  }
0xb5: {  	[dreg:$0x3] =	wrdreg s16  }
0xb6: {  	[dreg:$0x4] =	wrdreg $0x9  }
0xb7: {  	_ =	task.clear_ibuf [dreg:s7], $0x5FFFF;
	_ =	strace $0x90000046  }
0xb8: {  	s29 =	simm.s32 $0x9;
	_ =	strace $0x80000048  }
0xb9: {  	_ =	swait.ge [sflag:s29], $0x1  }
0xba: {  	[sflag:s29] =	ssyncadd.s32 $0xFFFFFFFF  }
0xbb: {  	_ =	strace $0x90000048  }
0xbc: {  	_ =	sfence  }
0xbd: {  	s30 =	sld [smem:$0x0];
	_ =	sdelay $0x2  }
0xbe: {  	s31 =	sshll.u32 s1, $0xD;
	s1 =	sshrl.u32 s1, $0x2  }
0xbf: {  	s3 =	sand.u32 $0x4000, s31;
	s1 =	sadd.s32 s1, s30  }
0xc0: {  	s0 =	sor.u32 s3, s0;
	s1 =	sshll.u32 s1, $0x11  }
0xc1: {  	s0 =	sor.u32 s1, s0  }
0xc2: {  	s0 =	sadd.s32 $0x8F2B, s0  }
0xc3: {  	[sflag:s0] =	ssyncadd.remote.s32 $0x1  }
0xc4: {  	_ =	sfence.sel $0xFFFF  }
0xc5: {  	[dreg:$0x0] =	wrdreg $0xFFFFFFFF;
	(pc) =	sbr.abs _section_cstart, $3  }
0xc6: {  	[dreg:$0x1] =	wrdreg $0xFFFFFFFF  }
0xc7: {  	_ =	task.clear_ibuf [dreg:s7], $0x2FFFF;
	_ =	strace $0x9FFFFFFF  }
0xc8: {  	(tm) =	ssettm $0x7FFFFFFF  }
0xc9: {  	_ =	shalt  }
tec
execute0_lowered:
.L_overlay_start_1:
0x0: {  	(tag) =	ssettag $0x1  }
0x1: {  	s3 =	rddreg [dreg:$0x0]  }
0x2: {  	s4 =	rddreg [dreg:$0x1]  }
0x3: {  	s0 =	rddreg [dreg:$0x2]  }
0x4: {  	s2 =	simm.s32 $0x0;
	s5 =	srdreg.scid;
	s1 =	stileid.u32  }
0x5: {  	s10 =	simm.s32 $0x8000;
	s11 =	simm.s32 $0x8200;
	s12 =	simm.s32 $0x8400  }
0x6: {  	s13 =	simm.s32 $0x8600;
	s5 =	sand.u32 $0x1, s5;
	s6 =	sshll.u32 s1, $0x1  }
0x7: {  	s14 =	simm.s32 $0x0;
	[smem:$0x7FF] =	sst s2;
	s6 =	sor.u32 s5, s6  }
0x8: {  	_ =	strace $0x80000047;
	s5 =	ssub.s32 $0x2, s5;
	s7 =	sshll.u32 s6, $0xC  }
0x9: {  	s6 =	sshll.u32 s6, $0x6;
	s8 =	sshrl.u32 s5, $0x1;
	s7 =	sadd.s32 s7, s3  }
0xa: {  	s9 =	sadd.s32 s6, s3;
	s8 =	ssub.s32 s5, s8;
	s4 =	sadd.s32 s4, s6  }
0xb: {  	s3 =	sadd.s32 $0xC00, s7;
	s5 =	sadd.s32 $0x20C00, s9;
	s6 =	sadd.s32 $0x21400, s9  }
0xc: {  	s7 =	sadd.s32 $0x21C00, s9;
	s8 =	smax.u32 s8, $0x1;
	s9 =	simm.s32 $0x1  }
.LBB2_1:
0xd: {  	[tilespmem:s2], [sflag:$0x1] =	stream.linear.gather [hbm4b:s3+s2], $0x8000, $0x38;
	[tilespmem:$0x8800] =	vst v63  }
0xe: {  	_ =	swait.ge [sflag:s9], $0x8000  }
0xf: {  	s15 =	simm.s32 $0x0;
	s16 =	simm.s32 $0x0;
	[sflag:s9] =	ssyncset.done $0x0  }
0x10: {  	s17 =	simm.s32 $0x0;
	s18 =	simm.s32 $0x0;
	[sflag:s9] =	ssyncadd.s32 $0xFFFF8000  }
.LBB2_2:
0x11: {  	s19 =	sshll.u32 s17, $0x2;
	s20 =	sand.u32 $0x3, s15  }
0x12: {  	s21 =	sand.u32 $0x7, s16;
	s19 =	sand.u32 $0xFFFFF000, s19;
	s20 =	sshll.u32 s20, $0x7  }
0x13: {  	s21 =	sshll.u32 s21, $0x6;
	s20 =	sor.u32 s20, s19  }
0x14: {  	s19 =	sor.u32 s21, s19;
	s20 =	sshrl.u32 s20, $0x2  }
0x15: {  	s19 =	sshrl.u32 s19, $0x2;
	s20 =	sor.u32 $0x200, s20  }
0x16: {  	s19 =	sadd.s32 $0x390, s19;
	v2 =	vmov s20  }
0x17: {  	v3 =	vmov s19;
	_ =	sdelay $0x2  }
0x18: {  	s31 =	simm.s32 $0x0  }
0x19: {  	v4 =	vld.idx.msk [tilespmem:v2+s31+$0xFFFFFE00 ss:$0x1], $0xffff  }
0x1a: {  	v5 =	vld.idx.msk [tilespmem:v3+s31+$0xFFFFFC80 ss:$0x1], $0xffff  }
0x1b: {  	v7 =	vimm.s32 $0x0  }
0x1c: {  	v6 =	vimm.f32 $-Inf;
	v1 =	vor.u32 $0x6, v7;
	v8 =	vld.idx.msk [tilespmem:v2+s31+$0xFFFFFE80 ss:$0x1], $0xffff  }
0x1d: {  	v0 =	vor.u32 $0x7, v7;
	v10 =	vor.u32 $0x1, v7;
	v13 =	vor.u32 $0x4, v7;
	v9 =	vld.idx.msk [tilespmem:v3+s31+$0xFFFFFD00 ss:$0x1], $0xffff  }
0x1e: {  	v18 =	vor.u32 $0x5, v7;
	v26 =	vor.u32 $0x2, v7;
	v16 =	vld.idx.msk [tilespmem:v2+s31+$0xFFFFFF00 ss:$0x1], $0xffff;
	vm0 =	vgt.f32 v4, v6  }
0x1f: {  	v11 =	vmin.f32 v6, v4;
	v15 =	vmin.f32 v6, v5;
	v4 =	vmax.f32 v6, v4  }
0x20: {  	v11 =	vmax.f32 v6, v11;
	v14 =	vsel vm0, v7, v7;
	v15 =	vmax.f32 v6, v15  }
0x21: {  	v12 =	vld.idx.msk [tilespmem:v3+s31+$0xFFFFFD80 ss:$0x1], $0xffff;
	vm2 =	vgt.f32 v8, v4;
	v19 =	vmin.f32 v4, v8;
	v4 =	vmax.f32 v4, v8  }
0x22: {  	v17 =	vsel vm0, v7, v14;
	vm0 =	vgt.f32 v5, v6;
	v5 =	vmax.f32 v6, v5  }
0x23: {  	vm3 =	vgt.f32 v9, v15;
	v19 =	vmax.f32 v11, v19;
	v24 =	vmin.f32 v4, v16  }
0x24: {  	v21 =	vld.idx.msk [tilespmem:v2+s31+$0xFFFFFF80 ss:$0x1], $0xffff;
	v6 =	vsel vm0, v7, v7;
	v20 =	vmax.f32 v5, v9;
	vm4 =	vgt.f32 v9, v5  }
0x25: {  	v5 =	vmin.f32 v5, v9;
	v22 =	vsel vm0, v7, v6;
	v23 =	vsel vm4, v10, v6  }
0x26: {  	vm1 =	vgt.f32 v12, v20;
	v25 =	vmin.f32 v20, v12;
	vm0 =	vgt.f32 v16, v4  }
0x27: {  	v4 =	vmax.f32 v4, v16;
	v15 =	vmax.f32 v15, v5;
	v22 =	vsel vm3, v10, v22  }
0x28: {  	v27 =	vld.idx.msk [tilespmem:v3+s31+$0xFFFFFE00 ss:$0x1], $0xffff;
	vm3 =	vgt.f32 v8, v11;
	v25 =	vmax.f32 v15, v25;
	vm8 =	vgt.f32 v12, v15  }
0x29: {  	v8 =	vsel vm3, v10, v17;
	v17 =	vor.u32 $0x3, v7;
	vm3 =	vgt.f32 v21, v4  }
0x2a: {  	v9 =	vld.idx.msk [tilespmem:v2+s31+$0x0 ss:$0x1], $0xffff;
	v11 =	vsel vm4, v6, v22;
	vm4 =	vgt.f32 v16, v19;
	v16 =	vmax.f32 v20, v12  }
0x2b: {  	v20 =	vsel vm1, v26, v23;
	v8 =	vsel vm2, v14, v8;
	v14 =	vsel vm2, v10, v14  }
0x2c: {  	v28 =	vld.idx.msk [tilespmem:v3+s31+$0xFFFFFE80 ss:$0x1], $0xffff;
	v10 =	vmax.f32 v19, v24;
	v19 =	vmax.f32 v4, v21;
	v4 =	vmin.f32 v4, v21  }
0x2d: {  	v29 =	vmin.f32 v16, v27;
	vm2 =	vgt.f32 v27, v16;
	v34 =	vsel vm8, v26, v11  }
0x2e: {  	v59 =	vld.idx.msk [tilespmem:v2+s31+$0x80 ss:$0x1], $0xffff;
	v8 =	vsel vm4, v26, v8;
	vm4 =	vgt.f32 v21, v10;
	v21 =	vmax.f32 v16, v27  }
0x2f: {  	v30 =	vmin.f32 v19, v9;
	v4 =	vmax.f32 v10, v4;
	v31 =	vmax.f32 v19, v9  }
0x30: {  	v60 =	vsel vm2, v17, v20;
	v26 =	vsel vm0, v26, v14;
	v29 =	vmax.f32 v25, v29  }
0x31: {  	vm9 =	vgt.f32 v9, v19;
	v16 =	vmin.f32 v21, v28;
	vm6 =	vgt.f32 v9, v4  }
0x32: {  	v22 =	vld.idx.msk [tilespmem:v3+s31+$0xFFFFFF00 ss:$0x1], $0xffff;
	vm7 =	vgt.f32 v28, v21;
	v4 =	vmax.f32 v4, v30;
	v21 =	vmax.f32 v21, v28  }
0x33: {  	v6 =	vld.idx.msk [tilespmem:v2+s31+$0x100 ss:$0x1], $0xffff;
	vm5 =	vgt.f32 v59, v31;
	v10 =	vmax.f32 v31, v59;
	v15 =	vsel vm0, v14, v8  }
0x34: {  	v36 =	vsel vm3, v17, v26;
	v14 =	vsel vm1, v23, v34;
	vm1 =	vgt.f32 v27, v25  }
0x35: {  	v62 =	vmin.f32 v31, v59;
	v33 =	vsel vm7, v13, v60;
	v9 =	vsel vm4, v17, v15  }
0x36: {  	v5 =	vld.idx.msk [tilespmem:v2+s31+$0x180 ss:$0x1], $0xffff;
	v23 =	vsel vm9, v13, v36;
	v17 =	vsel vm1, v17, v14;
	v61 =	vmax.f32 v29, v16  }
0x37: {  	v35 =	vld.idx.msk [tilespmem:v3+s31+$0xFFFFFF80 ss:$0x1], $0xffff;
	vm1 =	vgt.f32 v28, v29;
	v63 =	vmax.f32 v4, v62;
	v32 =	vmin.f32 v21, v22  }
0x38: {  	v12 =	vmax.f32 v10, v6;
	vm15 =	vgt.f32 v22, v21;
	v19 =	vmax.f32 v21, v22  }
0x39: {  	v21 =	vmin.f32 v10, v6;
	v15 =	vsel vm5, v18, v23;
	v20 =	vsel vm2, v20, v17  }
0x3a: {  	v8 =	vld.idx.msk [tilespmem:v3+s31+$0x0 ss:$0x1], $0xffff;
	v9 =	vsel vm3, v26, v9;
	vm3 =	vgt.f32 v22, v61;
	vm4 =	vgt.f32 v6, v63  }
0x3b: {  	vm0 =	vgt.f32 v5, v12;
	v11 =	vsel vm15, v18, v33;
	v37 =	vmin.f32 v12, v5  }
0x3c: {  	v12 =	vmax.f32 v12, v5;
	v16 =	vmax.f32 v19, v35;
	vm2 =	vgt.f32 v35, v19  }
0x3d: {  	v20 =	vsel vm1, v13, v20;
	v22 =	vmin.f32 v19, v35;
	v19 =	vsel vm6, v13, v9  }
0x3e: {  	vm6 =	vgt.f32 v59, v4;
	v4 =	vadd.s32 $0x8, v7;
	v9 =	vsel vm7, v60, v20  }
0x3f: {  	v19 =	vsel vm9, v36, v19;
	v14 =	vmax.f32 v16, v8;
	v17 =	vmin.f32 v16, v8  }
0x40: {  	vm1 =	vgt.f32 v8, v16;
	v16 =	vsel vm2, v1, v11;
	v20 =	vsel vm3, v18, v9  }
0x41: {  	v9 =	vmax.f32 v63, v21;
	v21 =	vmax.f32 v61, v32;
	v7 =	vsel vm6, v18, v19  }
0x42: {  	s20 =	sshll.u32 s18, $0x5;
	v13 =	vsel vm1, v0, v16;
	v19 =	vsel vm15, v33, v20;
	v18 =	vmax.f32 v9, v37  }
0x43: {  	s21 =	simm.s32 $0x4000;
	s19 =	sor.u32 $0x10, s20;
	v20 =	vsel vm5, v23, v7;
	vm3 =	vgt.f32 v35, v21;
	v7 =	vmax.f32 v21, v22  }
.LBB2_3:
0x44: {  	s22 =	sshra.s32 s21, $0x2;
	p0 =	sne.s32 s21, $0x1C000;
	s21 =	sadd.s32 $0x4000, s21;
	vm5 =	vgt.f32 v6, v10;
	v6 =	vsel vm4, v1, v20;
	v10 =	vsel vm3, v1, v19  }
0x45: {  	v19 =	vld.idx.msk [tilespmem:v2+s22+$0xFFFFFE00 ss:$0x1], $0xffff;
	v6 =	vsel vm5, v15, v6;
	v10 =	vsel vm2, v11, v10;
	vm2 =	vgt.f32 v5, v9  }
0x46: {  	vm3 =	vgt.f32 v8, v7;
	v1 =	vsel vm5, v1, v15;
	v5 =	vld.idx.msk [tilespmem:v3+s22+$0xFFFFFC80 ss:$0x1], $0xffff;
	v6 =	vsel vm2, v0, v6  }
0x47: {  	v9 =	vsel vm3, v0, v10;
	v10 =	vsel vm0, v0, v1;
	v8 =	vld.idx.msk [tilespmem:v2+s22+$0xFFFFFE80 ss:$0x1], $0xffff;
	v6 =	vsel vm0, v1, v6  }
0x48: {  	v11 =	vmax.f32 v7, v17;
	v15 =	vsel vm1, v16, v9  }
0x49: {  	v0 =	vor.u32 $0x7, v4;
	v1 =	vor.u32 $0x6, v4;
	v16 =	vld.idx.msk [tilespmem:v3+s22+$0xFFFFFD00 ss:$0x1], $0xffff  }
0x4a: {  	v17 =	vor.u32 $0x1, v4;
	v7 =	vor.u32 $0x5, v4;
	v9 =	vor.u32 $0x4, v4  }
0x4b: {  	vm0 =	vgt.f32 v19, v12;
	vm1 =	vgt.f32 v19, v18;
	v20 =	vmin.f32 v12, v19;
	v21 =	vld.idx.msk [tilespmem:v3+s22+$0xFFFFFD80 ss:$0x1], $0xffff  }
0x4c: {  	v18 =	vmax.f32 v18, v20;
	v6 =	vsel vm1, v4, v6;
	v20 =	vsel vm0, v4, v10;
	v22 =	vld.idx.msk [tilespmem:v2+s22+$0xFFFFFF00 ss:$0x1], $0xffff  }
0x4d: {  	v23 =	vmin.f32 v14, v5;
	v6 =	vsel vm0, v10, v6;
	v10 =	vmax.f32 v12, v19;
	v19 =	vld.idx.msk [tilespmem:v3+s22+$0xFFFFFE00 ss:$0x1], $0xffff  }
0x4e: {  	vm0 =	vgt.f32 v5, v11;
	v11 =	vmax.f32 v11, v23;
	vm3 =	vgt.f32 v8, v10  }
0x4f: {  	vm1 =	vgt.f32 v5, v14;
	v5 =	vmax.f32 v14, v5;
	vm4 =	vgt.f32 v16, v11  }
0x50: {  	v12 =	vsel vm0, v4, v15;
	v14 =	vmin.f32 v10, v8;
	v15 =	vmax.f32 v5, v16;
	v23 =	vld.idx.msk [tilespmem:v2+s22+$0xFFFFFF80 ss:$0x1], $0xffff  }
0x51: {  	v24 =	vsel vm1, v4, v13;
	vm5 =	vgt.f32 v16, v5;
	v14 =	vmax.f32 v18, v14  }
0x52: {  	v10 =	vmax.f32 v10, v8;
	v12 =	vsel vm1, v13, v12;
	v13 =	vsel vm5, v17, v24  }
0x53: {  	vm2 =	vgt.f32 v21, v15;
	v26 =	vmin.f32 v15, v21;
	v25 =	vmin.f32 v10, v22  }
0x54: {  	v27 =	vor.u32 $0x2, v4;
	v12 =	vsel vm4, v17, v12;
	vm0 =	vgt.f32 v22, v10  }
0x55: {  	vm1 =	vgt.f32 v8, v18;
	v5 =	vmin.f32 v5, v16;
	v8 =	vmax.f32 v10, v22;
	v16 =	vld.idx.msk [tilespmem:v2+s22+$0x0 ss:$0x1], $0xffff  }
0x56: {  	v18 =	vor.u32 $0x3, v4;
	v6 =	vsel vm1, v17, v6;
	vm1 =	vgt.f32 v23, v8;
	v28 =	vld.idx.msk [tilespmem:v3+s22+$0xFFFFFE80 ss:$0x1], $0xffff  }
0x57: {  	v6 =	vsel vm3, v20, v6;
	v12 =	vsel vm5, v24, v12;
	vm4 =	vgt.f32 v22, v14  }
0x58: {  	v10 =	vmax.f32 v15, v21;
	v24 =	vsel vm2, v27, v13;
	v22 =	vsel vm4, v27, v6;
	v29 =	vld.idx.msk [tilespmem:v3+s22+$0xFFFFFF00 ss:$0x1], $0xffff  }
0x59: {  	v15 =	vsel vm3, v17, v20;
	v14 =	vmax.f32 v14, v25;
	v17 =	vmax.f32 v8, v23;
	v20 =	vld.idx.msk [tilespmem:v2+s22+$0x80 ss:$0x1], $0xffff  }
0x5a: {  	v11 =	vmax.f32 v11, v5;
	v25 =	vmin.f32 v10, v19;
	v5 =	vmin.f32 v8, v23  }
0x5b: {  	vm8 =	vgt.f32 v23, v14;
	v8 =	vmax.f32 v10, v19;
	v23 =	vmin.f32 v17, v16;
	v6 =	vld.idx.msk [tilespmem:v2+s22+$0x100 ss:$0x1], $0xffff  }
0x5c: {  	vm4 =	vgt.f32 v19, v10;
	v10 =	vmax.f32 v14, v5;
	v14 =	vmin.f32 v8, v28;
	v5 =	vld.idx.msk [tilespmem:v2+s22+$0x180 ss:$0x1], $0xffff  }
0x5d: {  	v26 =	vmax.f32 v11, v26;
	vm5 =	vgt.f32 v16, v10;
	v30 =	vmax.f32 v17, v16  }
0x5e: {  	vm6 =	vgt.f32 v28, v8;
	v23 =	vmax.f32 v10, v23;
	v31 =	vmax.f32 v8, v28  }
0x5f: {  	v32 =	vsel vm4, v18, v24;
	v33 =	vmin.f32 v31, v29;
	vm3 =	vgt.f32 v20, v30  }
0x60: {  	vm7 =	vgt.f32 v21, v11;
	v21 =	vsel vm6, v9, v32;
	v10 =	vmax.f32 v30, v20  }
0x61: {  	v34 =	vsel vm7, v27, v12;
	v22 =	vsel vm0, v15, v22;
	v12 =	vmax.f32 v10, v6;
	v35 =	vld.idx.msk [tilespmem:v3+s22+$0xFFFFFF80 ss:$0x1], $0xffff  }
0x62: {  	v27 =	vsel vm0, v27, v15;
	vm7 =	vgt.f32 v29, v31;
	vm0 =	vgt.f32 v5, v12;
	v8 =	vld.idx.msk [tilespmem:v3+s22+$0x0 ss:$0x1], $0xffff  }
0x63: {  	v36 =	vsel vm1, v18, v27;
	v11 =	vsel vm7, v7, v21;
	v37 =	vmin.f32 v12, v5  }
0x64: {  	v25 =	vmax.f32 v26, v25;
	vm9 =	vgt.f32 v16, v17;
	v12 =	vmax.f32 v12, v5  }
0x65: {  	v16 =	vsel vm8, v18, v22;
	v22 =	vmax.f32 v31, v29;
	v31 =	vmin.f32 v10, v6  }
0x66: {  	v13 =	vsel vm2, v13, v34;
	vm2 =	vgt.f32 v19, v26;
	v26 =	vsel vm9, v9, v36  }
0x67: {  	v13 =	vsel vm2, v18, v13;
	v18 =	vmax.f32 v25, v14;
	v19 =	vmax.f32 v22, v35  }
0x68: {  	v17 =	vmin.f32 v30, v20;
	v15 =	vsel vm3, v7, v26;
	v14 =	vmax.f32 v19, v8  }
0x69: {  	v13 =	vsel vm4, v24, v13;
	vm4 =	vgt.f32 v28, v25;
	vm2 =	vgt.f32 v35, v22  }
0x6a: {  	v24 =	vsel vm1, v27, v16;
	v25 =	vmax.f32 v23, v17;
	v17 =	vmin.f32 v19, v8  }
0x6b: {  	v13 =	vsel vm4, v9, v13;
	vm8 =	vgt.f32 v29, v18;
	vm1 =	vgt.f32 v8, v19  }
0x6c: {  	vm4 =	vgt.f32 v6, v25;
	v22 =	vmin.f32 v22, v35;
	v16 =	vsel vm2, v1, v11  }
.Ltmp0:
0x6d: {  	v19 =	vsel vm5, v9, v24;
	v9 =	vsel vm6, v32, v13;
	v13 =	vsel vm1, v0, v16;
	(pc) =	sbr.rel @p0 .LBB2_3-.Ltmp0, $4  }
0x6e: {  	vm5 =	vgt.f32 v20, v23;
	v20 =	vsel vm8, v7, v9;
	v9 =	vmax.f32 v25, v31  }
0x6f: {  	v4 =	vadd.s32 $0x8, v4;
	v23 =	vmax.f32 v18, v33;
	v19 =	vsel vm9, v36, v19  }
0x70: {  	v7 =	vsel vm5, v7, v19;
	v19 =	vsel vm7, v21, v20;
	v18 =	vmax.f32 v9, v37  }
0x71: {  	v20 =	vsel vm3, v26, v7;
	vm3 =	vgt.f32 v35, v23;
	v7 =	vmax.f32 v23, v22  }
0x72: {  	v2 =	vsub.f32 v18, v12;
	_ =	sdelay $0x1  }
0x73: {  	v3 =	vmax.f32 v7, v17;
	v2 =	vmul.f32 $1.442695020e+00, v2  }
0x74: {  	v50 =	vsub.f32 v3, v14  }
0x75: {  	(erf) = vpow2.f32 v2  }
0x76: {  	v2 =	vmul.f32 $1.442695020e+00, v50;
	_ =	sdelay $0x1  }
0x77: {  	(erf) = vpow2.f32 v2;
	_ =	sdelay $0x5  }
0x78: {  	v51 =	vpop (erf)  }
0x79: {  	v52 =	vadd.f32 $1.000000000e+00, v51;
	_ =	sdelay $0x1  }
0x7a: {  	v53 =	vpop (erf);
	(erf) = vrcp.f32 v52  }
0x7b: {  	v4 =	vadd.f32 $1.000000000e+00, v53;
	_ =	sdelay $0x1  }
0x7c: {  	(erf) = vrcp.f32 v4;
	_ =	sdelay $0x2  }
0x7d: {  	vm5 =	vgt.f32 v6, v10;
	v55 =	vsel vm4, v1, v20  }
0x7e: {  	vm14 =	vgt.f32 v5, v9;
	v6 =	vsel vm5, v15, v55;
	v56 =	vsel vm5, v1, v15  }
0x7f: {  	v57 =	vsel vm14, v0, v6;
	v58 =	vsel vm0, v0, v56  }
0x80: {  	v59 =	vsel vm0, v56, v57;
	[tilespmem:s20+$0x8400] =	vst v58;
	v54 =	vpop (erf)  }
0x81: {  	s18 =	sadd.s32 $0x1, s18;
	[tilespmem:s20+$0x8600] =	vst v59;
	v2 =	vmul.f32 v54, v51  }
0x82: {  	v61 =	vsel vm3, v1, v19;
	p0 =	sne.s32 s18, $0x10;
	[tilespmem:s20+$0x8000] =	vst v54  }
.Ltmp1:
0x83: {  	vm15 =	vgt.f32 v8, v7;
	v1 =	vsel vm2, v11, v61;
	v60 =	vpop (erf);
	[tilespmem:s20+$0x8200] =	vst v2;
	(pc) =	sbr.rel @p0 .LBB2_2-.Ltmp1, $4  }
0x84: {  	v63 =	vsel vm15, v0, v1;
	[tilespmem:s19+$0x8000] =	vst v60  }
0x85: {  	v0 =	vsel vm1, v16, v63;
	v62 =	vmul.f32 v60, v53;
	[tilespmem:s19+$0x8400] =	vst v13  }
0x86: {  	[tilespmem:s19+$0x8600] =	vst v0  }
0x87: {  	s17 =	sadd.s32 $0x100, s17;
	s16 =	sadd.s32 $0x2, s16;
	s15 =	sadd.s32 $0x1, s15;
	[tilespmem:s19+$0x8200] =	vst v62  }
0x88: {  	[hbm4b:s4+s2] =	stream.linear.scatter [tilespmem:s10], [sflag:$0x1], $0x200, $0x38;
	[tilespmem:$0x8800] =	vst v63  }
0x89: {  	_ =	swait.ge [sflag:s9], $0x200  }
0x8a: {  	[sflag:s9] =	ssyncset.done $0x0  }
0x8b: {  	[sflag:s9] =	ssyncadd.s32 $0xFFFFFE00  }
0x8c: {  	[hbm4b:s5+s2] =	stream.linear.scatter [tilespmem:s11], [sflag:$0x1], $0x200, $0x38;
	[tilespmem:$0x8800] =	vst v63  }
0x8d: {  	_ =	swait.ge [sflag:s9], $0x200  }
0x8e: {  	[sflag:s9] =	ssyncset.done $0x0  }
0x8f: {  	[sflag:s9] =	ssyncadd.s32 $0xFFFFFE00  }
0x90: {  	[hbm4b:s6+s2] =	stream.linear.scatter [tilespmem:s12], [sflag:$0x1], $0x200, $0x38;
	[tilespmem:$0x8800] =	vst v63  }
0x91: {  	s14 =	sadd.s32 $0x1, s14;
	_ =	swait.ge [sflag:s9], $0x200  }
0x92: {  	p0 =	sne.s32 s14, s8;
	[sflag:s9] =	ssyncset.done $0x0  }
.Ltmp2:
0x93: {  	[sflag:s9] =	ssyncadd.s32 $0xFFFFFE00;
	(pc) =	sbr.rel @p0 .LBB2_1-.Ltmp2, $4  }
0x94: {  	[hbm4b:s7+s2] =	stream.linear.scatter [tilespmem:s13], [sflag:$0x1], $0x200, $0x38;
	[tilespmem:$0x8800] =	vst v63  }
0x95: {  	_ =	swait.ge [sflag:s9], $0x200  }
0x96: {  	[sflag:s9] =	ssyncset.done $0x0  }
0x97: {  	[sflag:s9] =	ssyncadd.s32 $0xFFFFFE00  }
0x98: {  	_ =	sfence.sel $0x180000  }
0x99: {  	[bflag:$0x0] =	sbarrier.arrive $0xFFFF  }
0x9a: {  	p0 =	sne.s32 s1, $0x0;
	_ =	strace $0x90000047  }
0x9b: {  	s0 =	sadd.s32 @!p0 $0x100000, s0;
	[bflag:$0x2] =	sbarrier.arrive $0xFFFF  }
0x9c: {  	[sflag:s0] =	ssyncadd.tile.s32 @!p0 $0x1;
	_ =	shalt  }
.Lfunc_end2:
_tile_overlayer_lowered:
.L_overlay_start_2:
0x9d: {  	(tag) =	ssettag $0x2  }
0x9e: {  	s0 =	rddreg [dreg:$0x0];
	s2 =	stileid.u32  }
0x9f: {  	s1 =	rddreg [dreg:$0x1];
	p0 =	sne.s32 s2, $0x0  }
0xa0: {  	s3 =	rddreg [dreg:$0x2];
	[bflag:$0x3] =	sbarrier.arrive $0xFFFF;
	s2 =	simm.s32 @!p0 $0x1C01  }
0xa1: {  	[timem:s3], [sflag:s2] =	dma.local @!p0 [hbm:s0], s1  }
0xa2: {  	s0 =	simm.s32 @!p0 $0x1  }
0xa3: {  	_ =	swait.ge @!p0 [sflag:s0], s1  }
0xa4: {  	s1 =	ssub.s32 @!p0 $0x0, s1;
	[sflag:s0] =	ssyncset.done @!p0 $0x0  }
0xa5: {  	[sflag:s0] =	ssyncadd.s32 @!p0 s1  }
0xa6: {  	[bflag:$0x3] =	sbarrier.arrive $0xFFFF  }
0xa7: {  	_ =	shalt  }

</sc_bundles>
